<compile_context>
chip_gen: v7x
topology: tpu7x:2x2x1
jax: 0.10.2.dev20260603
libtpu: 0.0.44.dev20260713+nightly
codegen_flags: <defaults>
</compile_context>

<pallas_src>
import functools

import jax
import jax.numpy as jnp
from jax import lax
from jax.experimental import pallas as pl
from jax.experimental.pallas import tpu as pltpu
from jax.experimental.pallas import tpu_sc as plsc

_NUM_WORKERS = 32
_CHUNK = 1024
_PACK = 8
_BB = 2048
_SLICES = 5


def _sc_gather(table, ids_flat):
    n = ids_flat.shape[0]
    e = table.shape[1]
    per_w = n // _NUM_WORKERS
    n_chunks = per_w // _CHUNK
    assert per_w * _NUM_WORKERS == n and n_chunks * _CHUNK == per_w

    mesh = plsc.VectorSubcoreMesh(core_axis_name="c", subcore_axis_name="s")

    @functools.partial(
        pl.kernel,
        mesh=mesh,
        out_type=jax.ShapeDtypeStruct((n, e), jnp.float32),
        scratch_types=[
            pltpu.VMEM((_CHUNK,), jnp.int32),
            pltpu.VMEM((_CHUNK, e), jnp.float32),
            pltpu.SemaphoreType.DMA,
        ],
        compiler_params=pltpu.CompilerParams(use_tc_tiling_on_sc=False),
    )
    def gather_kernel(table_hbm, ids_hbm, out_hbm, idx_v, rows_v, sem):
        wid = lax.axis_index("s") * 2 + lax.axis_index("c")
        base = wid * per_w

        def body(i, carry):
            off = base + i * _CHUNK
            pltpu.sync_copy(ids_hbm.at[pl.ds(off, _CHUNK)], idx_v)
            pltpu.async_copy(table_hbm.at[idx_v], rows_v, sem).wait()
            pltpu.sync_copy(rows_v, out_hbm.at[pl.ds(off, _CHUNK)])
            return carry

        lax.fori_loop(0, n_chunks, body, 0)

    return gather_kernel(table, ids_flat)


def _tc_project_slice(w_packed, x_packed, prev, lg0, lgs, l_groups, b):
    kdim = w_packed.shape[1]
    out_rows = w_packed.shape[0]
    h = out_rows // _PACK
    b_blocks = b // _BB

    def body(w_ref, x_ref, *refs):
        o_ref = refs[-1]
        prod = jax.lax.dot_general(
            w_ref[...],
            x_ref[...],
            dimension_numbers=(((1,), (1,)), ((), ())),
            preferred_element_type=jnp.float32,
        )
        o_ref[...] = prod.reshape(_PACK, h, _BB)

    in_specs = [
        pl.BlockSpec((out_rows, kdim), lambda lg, bb: (0, 0)),
        pl.BlockSpec((_BB, kdim), lambda lg, bb: (lg * b_blocks + bb, 0)),
    ]
    args = [w_packed, x_packed]
    aliases = {}
    if prev is not None:
        in_specs.append(
            pl.BlockSpec((_PACK, h, _BB), lambda lg, bb: (0, 0, 0))
        )
        args.append(prev)
        aliases = {2: 0}

    return pl.pallas_call(
        body,
        grid=(lgs, b_blocks),
        in_specs=in_specs,
        out_specs=pl.BlockSpec(
            (_PACK, h, _BB), lambda lg, bb: (lg0 + lg, 0, bb)
        ),
        out_shape=jax.ShapeDtypeStruct((l_groups * _PACK, h, b), jnp.float32),
        input_output_aliases=aliases,
        compiler_params=pltpu.CompilerParams(
            dimension_semantics=("arbitrary", "arbitrary"),
        ),
    )(*args)


def kernel(input_ids, embeddings_VE, linear_EH_weight):
    b, l = input_ids.shape
    e = embeddings_VE.shape[1]
    h = linear_EH_weight.shape[0]
    n = b * l
    l_groups = l // _PACK
    assert l_groups % _SLICES == 0
    lgs = l_groups // _SLICES
    n_s = n // _SLICES

    ids_perm = (
        input_ids.T.reshape(l_groups, _PACK, b)
        .transpose(0, 2, 1)
        .reshape(n)
    )
    w_packed = jnp.kron(
        jnp.eye(_PACK, dtype=jnp.float32), linear_EH_weight
    )

    out = None
    for s in range(_SLICES):
        ids_s = lax.slice(ids_perm, (s * n_s,), ((s + 1) * n_s,))
        rows_s = _sc_gather(embeddings_VE, ids_s)
        x_s = rows_s.reshape(n_s // _PACK, _PACK * e)
        out = _tc_project_slice(
            w_packed, x_s, out, s * lgs, lgs, l_groups, b
        )

    return out.transpose(2, 0, 1)

# --- scband reference (transcript-rebuilt; emitter-appended) ---
"""Pipeline reference for scband-factorized-embedding-35828617183500 (READ-ONLY COPY).

The authoritative reference and input builder live on the scoring server;
editing this copy changes nothing except your own understanding.
"""

import jax, jax.numpy as jnp
import numpy as np

NUM_EMBEDDINGS = 1000000
EMBEDDING_DIM = 64
FACTOR_SIZE = 16
BATCH = 16384
HIST = 200


def setup_inputs(seed: int = 0) -> dict:
    key = jax.random.key(seed)
    k1, k2, k3 = jax.random.split(key, 3)
    input_ids = jax.random.randint(k1, (BATCH, HIST), 0, NUM_EMBEDDINGS, dtype=jnp.int64 if jax.config.jax_enable_x64 else jnp.int32)
    # Learned parameters. In the torch module these come from an SVD of
    # source_embeds (U -> embeddings_VE.weight, (Vh.T * S) -> linear_EH.weight).
    # The forward math is identical regardless of how they were initialized,
    # so we materialize them directly at the factorized sizes.
    embeddings_VE = jax.random.normal(k2, (NUM_EMBEDDINGS, FACTOR_SIZE), dtype=jnp.float32) * 0.02
    # torch nn.Linear stores weight as [out_features, in_features] = [H, E]
    linear_EH_weight = jax.random.normal(k3, (EMBEDDING_DIM, FACTOR_SIZE), dtype=jnp.float32) * 0.02
    return {
        "input_ids": input_ids,
        "embeddings_VE": embeddings_VE,
        "linear_EH_weight": linear_EH_weight,
    }


def reference(input_ids, embeddings_VE, linear_EH_weight):
    # embeddings_E = self.embeddings_VE(input_ids)  -> gather rows
    embeddings_E = jnp.take(embeddings_VE, input_ids, axis=0)  # [B, L, factor]
    # embeddings_H = self.linear_EH(embeddings_E)   -> x @ W.T (no bias)
    embeddings_H = jnp.einsum("ble,he->blh", embeddings_E, linear_EH_weight)
    return embeddings_H

if __name__ == "__main__":
    import jax
    _d = setup_inputs()
    print(jax.jit(kernel)(*tuple(_d.values())))

</pallas_src>

<mosaic_0001>
#map = affine_map<(d0, d1) -> (0, 0)>
#map1 = affine_map<(d0, d1) -> (0)>
module attributes {stable_mosaic.version = 14 : i64} {
  func.func @gather_kernel(%arg0: i32, %arg1: i32, %arg2: memref<1000000x16xf32, #tpu.memory_space<hbm>>, %arg3: memref<655360xi32, #tpu.memory_space<hbm>>, %arg4: memref<655360x16xf32, #tpu.memory_space<hbm>>, %arg5: memref<1024xi32, #tpu.memory_space<vmem>>, %arg6: memref<1024x16xf32, #tpu.memory_space<vmem>>, %arg7: memref<!tpu.dma_semaphore, #tpu.memory_space<semaphore_mem>>) attributes {dimension_semantics = [#tpu.dimension_semantics<core_parallel>, #tpu.dimension_semantics<subcore_parallel>], iteration_bounds = array<i64: 2, 16>, scalar_prefetch = 0 : i64, scratch_operands = 3 : i64, tpu.core_type = #tpu.core_type<sc_vector_subcore>, window_params = [{transform_indices = #map}, {transform_indices = #map1}, {transform_indices = #map}]} {
    %mul3A = arith.constant 2 : i32
    %mul3A_0 = arith.muli %arg1, %mul3A : i32
    %add3A = arith.addi %mul3A_0, %arg0 : i32
    %mul3A_1 = arith.constant 20480 : i32
    %mul3A_2 = arith.muli %add3A, %mul3A_1 : i32
    %scan3A = arith.constant 0 : i32
    %scan3A_3 = arith.constant 0 : i32
    %scan3A_4 = arith.constant 20 : i32
    %scan3A_5 = arith.addi %scan3A_3, %scan3A_4 : i32
    %scan3A_6 = arith.constant 1 : i32
    scf.for %scan3A_8 = %scan3A_3 to %scan3A_5 step %scan3A_6  : i32 {
      %mul3A_9 = arith.constant 1024 : i32
      %mul3A_10 = arith.muli %scan3A_8, %mul3A_9 : i32
      %add3A_11 = arith.addi %mul3A_2, %mul3A_10 : i32
      "tpu.region"() ({
        %run_scoped3A = tpu.sem_alloc : memref<!tpu.dma_semaphore, #tpu.memory_space<semaphore_mem>>
        %dma_start3A_16 = tpu.memref_slice %arg3[%add3A_11] : memref<655360xi32, #tpu.memory_space<hbm>> -> memref<1024xi32, #tpu.memory_space<hbm>>
        %dma_start3A_17 = tpu.memref_slice %arg3[%add3A_11] : memref<655360xi32, #tpu.memory_space<hbm>> -> memref<1024xi32, #tpu.memory_space<hbm>>
        tpu.enqueue_dma source(%dma_start3A_17 : memref<1024xi32, #tpu.memory_space<hbm>>) target(%arg5 : memref<1024xi32, #tpu.memory_space<vmem>>) target_semaphore(%run_scoped3A : memref<!tpu.dma_semaphore, #tpu.memory_space<semaphore_mem>>)
        %dma_wait3A_18 = tpu.memref_slice %arg3[%add3A_11] : memref<655360xi32, #tpu.memory_space<hbm>> -> memref<1024xi32, #tpu.memory_space<hbm>>
        %dma_wait3A_19 = tpu.memref_slice %arg3[%add3A_11] : memref<655360xi32, #tpu.memory_space<hbm>> -> memref<1024xi32, #tpu.memory_space<hbm>>
        tpu.wait_dma2 semaphore(%run_scoped3A : memref<!tpu.dma_semaphore, #tpu.memory_space<semaphore_mem>>) src(%dma_wait3A_19 : memref<1024xi32, #tpu.memory_space<hbm>>) dst(%arg5 : memref<1024xi32, #tpu.memory_space<vmem>>)
        tpu.yield
      }) : () -> ()
      %dma_start3A = arith.constant 0 : i32
      %dma_start3A_12 = arith.constant 0 : i32
      %dma_start3A_13 = tpu.memref_slice %arg2[%dma_start3A, %dma_start3A_12] : memref<1000000x16xf32, #tpu.memory_space<hbm>> -> memref<1000000x16xf32, #tpu.memory_space<hbm>>
      tpu.enqueue_indirect_dma source(%dma_start3A_13 : memref<1000000x16xf32, #tpu.memory_space<hbm>>) target(%arg6 : memref<1024x16xf32, #tpu.memory_space<vmem>>) offsets(%arg5 : memref<1024xi32, #tpu.memory_space<vmem>>) semaphore(%arg7 : memref<!tpu.dma_semaphore, #tpu.memory_space<semaphore_mem>>)
      %dma_wait3A = arith.constant 0 : i32
      %dma_wait3A_14 = arith.constant 0 : i32
      %dma_wait3A_15 = tpu.memref_slice %arg2[%dma_wait3A, %dma_wait3A_14] : memref<1000000x16xf32, #tpu.memory_space<hbm>> -> memref<1000000x16xf32, #tpu.memory_space<hbm>>
      tpu.wait_indirect_dma semaphore(%arg7 : memref<!tpu.dma_semaphore, #tpu.memory_space<semaphore_mem>>) src(%dma_wait3A_15 : memref<1000000x16xf32, #tpu.memory_space<hbm>>) dst(%arg6 : memref<1024x16xf32, #tpu.memory_space<vmem>>)
      "tpu.region"() ({
        %run_scoped3A = tpu.sem_alloc : memref<!tpu.dma_semaphore, #tpu.memory_space<semaphore_mem>>
        %dma_start3A_16 = arith.constant 0 : i32
        %dma_start3A_17 = tpu.memref_slice %arg4[%add3A_11, %dma_start3A_16] : memref<655360x16xf32, #tpu.memory_space<hbm>> -> memref<1024x16xf32, #tpu.memory_space<hbm>>
        %dma_start3A_18 = arith.constant 0 : i32
        %dma_start3A_19 = tpu.memref_slice %arg4[%add3A_11, %dma_start3A_18] : memref<655360x16xf32, #tpu.memory_space<hbm>> -> memref<1024x16xf32, #tpu.memory_space<hbm>>
        tpu.enqueue_dma source(%arg6 : memref<1024x16xf32, #tpu.memory_space<vmem>>) target(%dma_start3A_19 : memref<1024x16xf32, #tpu.memory_space<hbm>>) target_semaphore(%run_scoped3A : memref<!tpu.dma_semaphore, #tpu.memory_space<semaphore_mem>>)
        %dma_wait3A_20 = arith.constant 0 : i32
        %dma_wait3A_21 = tpu.memref_slice %arg4[%add3A_11, %dma_wait3A_20] : memref<655360x16xf32, #tpu.memory_space<hbm>> -> memref<1024x16xf32, #tpu.memory_space<hbm>>
        %dma_wait3A_22 = arith.constant 0 : i32
        %dma_wait3A_23 = tpu.memref_slice %arg4[%add3A_11, %dma_wait3A_22] : memref<655360x16xf32, #tpu.memory_space<hbm>> -> memref<1024x16xf32, #tpu.memory_space<hbm>>
        tpu.wait_dma2 semaphore(%run_scoped3A : memref<!tpu.dma_semaphore, #tpu.memory_space<semaphore_mem>>) src(%arg6 : memref<1024x16xf32, #tpu.memory_space<vmem>>) dst(%dma_wait3A_23 : memref<1024x16xf32, #tpu.memory_space<hbm>>)
        tpu.yield
      }) : () -> ()
    }
    %scan3A_7 = arith.constant 20 : i32
    return
  }
}

#map = affine_map<(d0, d1) -> (0, 0)>
#map1 = affine_map<(d0, d1) -> (0)>
module attributes {stable_mosaic.version = 14 : i64} {
  func.func @gather_kernel(%arg0: i32, %arg1: i32, %arg2: memref<1000000x16xf32, #tpu.memory_space<hbm>>, %arg3: memref<655360xi32, #tpu.memory_space<hbm>>, %arg4: memref<655360x16xf32, #tpu.memory_space<hbm>>, %arg5: memref<1024xi32, #tpu.memory_space<vmem>>, %arg6: memref<1024x16xf32, #tpu.memory_space<vmem>>, %arg7: memref<!tpu.dma_semaphore, #tpu.memory_space<semaphore_mem>>) attributes {dimension_semantics = [#tpu.dimension_semantics<core_parallel>, #tpu.dimension_semantics<subcore_parallel>], iteration_bounds = array<i64: 2, 16>, scalar_prefetch = 0 : i64, scratch_operands = 3 : i64, tpu.core_type = #tpu.core_type<sc_vector_subcore>, window_params = [{transform_indices = #map}, {transform_indices = #map1}, {transform_indices = #map}]} {
    %mul3A = arith.constant 2 : i32
    %mul3A_0 = arith.muli %arg1, %mul3A : i32
    %add3A = arith.addi %mul3A_0, %arg0 : i32
    %mul3A_1 = arith.constant 20480 : i32
    %mul3A_2 = arith.muli %add3A, %mul3A_1 : i32
    %scan3A = arith.constant 0 : i32
    %scan3A_3 = arith.constant 0 : i32
    %scan3A_4 = arith.constant 20 : i32
    %scan3A_5 = arith.addi %scan3A_3, %scan3A_4 : i32
    %scan3A_6 = arith.constant 1 : i32
    scf.for %scan3A_8 = %scan3A_3 to %scan3A_5 step %scan3A_6  : i32 {
      %mul3A_9 = arith.constant 1024 : i32
      %mul3A_10 = arith.muli %scan3A_8, %mul3A_9 : i32
      %add3A_11 = arith.addi %mul3A_2, %mul3A_10 : i32
      "tpu.region"() ({
        %run_scoped3A = tpu.sem_alloc : memref<!tpu.dma_semaphore, #tpu.memory_space<semaphore_mem>>
        %dma_start3A_16 = tpu.memref_slice %arg3[%add3A_11] : memref<655360xi32, #tpu.memory_space<hbm>> -> memref<1024xi32, #tpu.memory_space<hbm>>
        %dma_start3A_17 = tpu.memref_slice %arg3[%add3A_11] : memref<655360xi32, #tpu.memory_space<hbm>> -> memref<1024xi32, #tpu.memory_space<hbm>>
        tpu.enqueue_dma source(%dma_start3A_17 : memref<1024xi32, #tpu.memory_space<hbm>>) target(%arg5 : memref<1024xi32, #tpu.memory_space<vmem>>) target_semaphore(%run_scoped3A : memref<!tpu.dma_semaphore, #tpu.memory_space<semaphore_mem>>)
        %dma_wait3A_18 = tpu.memref_slice %arg3[%add3A_11] : memref<655360xi32, #tpu.memory_space<hbm>> -> memref<1024xi32, #tpu.memory_space<hbm>>
        %dma_wait3A_19 = tpu.memref_slice %arg3[%add3A_11] : memref<655360xi32, #tpu.memory_space<hbm>> -> memref<1024xi32, #tpu.memory_space<hbm>>
        tpu.wait_dma2 semaphore(%run_scoped3A : memref<!tpu.dma_semaphore, #tpu.memory_space<semaphore_mem>>) src(%dma_wait3A_19 : memref<1024xi32, #tpu.memory_space<hbm>>) dst(%arg5 : memref<1024xi32, #tpu.memory_space<vmem>>)
        tpu.yield
      }) : () -> ()
      %dma_start3A = arith.constant 0 : i32
      %dma_start3A_12 = arith.constant 0 : i32
      %dma_start3A_13 = tpu.memref_slice %arg2[%dma_start3A, %dma_start3A_12] : memref<1000000x16xf32, #tpu.memory_space<hbm>> -> memref<1000000x16xf32, #tpu.memory_space<hbm>>
      tpu.enqueue_indirect_dma source(%dma_start3A_13 : memref<1000000x16xf32, #tpu.memory_space<hbm>>) target(%arg6 : memref<1024x16xf32, #tpu.memory_space<vmem>>) offsets(%arg5 : memref<1024xi32, #tpu.memory_space<vmem>>) semaphore(%arg7 : memref<!tpu.dma_semaphore, #tpu.memory_space<semaphore_mem>>)
      %dma_wait3A = arith.constant 0 : i32
      %dma_wait3A_14 = arith.constant 0 : i32
      %dma_wait3A_15 = tpu.memref_slice %arg2[%dma_wait3A, %dma_wait3A_14] : memref<1000000x16xf32, #tpu.memory_space<hbm>> -> memref<1000000x16xf32, #tpu.memory_space<hbm>>
      tpu.wait_indirect_dma semaphore(%arg7 : memref<!tpu.dma_semaphore, #tpu.memory_space<semaphore_mem>>) src(%dma_wait3A_15 : memref<1000000x16xf32, #tpu.memory_space<hbm>>) dst(%arg6 : memref<1024x16xf32, #tpu.memory_space<vmem>>)
      "tpu.region"() ({
        %run_scoped3A = tpu.sem_alloc : memref<!tpu.dma_semaphore, #tpu.memory_space<semaphore_mem>>
        %dma_start3A_16 = arith.constant 0 : i32
        %dma_start3A_17 = tpu.memref_slice %arg4[%add3A_11, %dma_start3A_16] : memref<655360x16xf32, #tpu.memory_space<hbm>> -> memref<1024x16xf32, #tpu.memory_space<hbm>>
        %dma_start3A_18 = arith.constant 0 : i32
        %dma_start3A_19 = tpu.memref_slice %arg4[%add3A_11, %dma_start3A_18] : memref<655360x16xf32, #tpu.memory_space<hbm>> -> memref<1024x16xf32, #tpu.memory_space<hbm>>
        tpu.enqueue_dma source(%arg6 : memref<1024x16xf32, #tpu.memory_space<vmem>>) target(%dma_start3A_19 : memref<1024x16xf32, #tpu.memory_space<hbm>>) target_semaphore(%run_scoped3A : memref<!tpu.dma_semaphore, #tpu.memory_space<semaphore_mem>>)
        %dma_wait3A_20 = arith.constant 0 : i32
        %dma_wait3A_21 = tpu.memref_slice %arg4[%add3A_11, %dma_wait3A_20] : memref<655360x16xf32, #tpu.memory_space<hbm>> -> memref<1024x16xf32, #tpu.memory_space<hbm>>
        %dma_wait3A_22 = arith.constant 0 : i32
        %dma_wait3A_23 = tpu.memref_slice %arg4[%add3A_11, %dma_wait3A_22] : memref<655360x16xf32, #tpu.memory_space<hbm>> -> memref<1024x16xf32, #tpu.memory_space<hbm>>
        tpu.wait_dma2 semaphore(%run_scoped3A : memref<!tpu.dma_semaphore, #tpu.memory_space<semaphore_mem>>) src(%arg6 : memref<1024x16xf32, #tpu.memory_space<vmem>>) dst(%dma_wait3A_23 : memref<1024x16xf32, #tpu.memory_space<hbm>>)
        tpu.yield
      }) : () -> ()
    }
    %scan3A_7 = arith.constant 20 : i32
    return
  }
}

#map = affine_map<(d0, d1) -> (0, 0)>
#map1 = affine_map<(d0, d1) -> (0)>
module attributes {stable_mosaic.version = 14 : i64} {
  func.func @gather_kernel(%arg0: i32, %arg1: i32, %arg2: memref<1000000x16xf32, #tpu.memory_space<hbm>>, %arg3: memref<655360xi32, #tpu.memory_space<hbm>>, %arg4: memref<655360x16xf32, #tpu.memory_space<hbm>>, %arg5: memref<1024xi32, #tpu.memory_space<vmem>>, %arg6: memref<1024x16xf32, #tpu.memory_space<vmem>>, %arg7: memref<!tpu.dma_semaphore, #tpu.memory_space<semaphore_mem>>) attributes {dimension_semantics = [#tpu.dimension_semantics<core_parallel>, #tpu.dimension_semantics<subcore_parallel>], iteration_bounds = array<i64: 2, 16>, scalar_prefetch = 0 : i64, scratch_operands = 3 : i64, tpu.core_type = #tpu.core_type<sc_vector_subcore>, window_params = [{transform_indices = #map}, {transform_indices = #map1}, {transform_indices = #map}]} {
    %mul3A = arith.constant 2 : i32
    %mul3A_0 = arith.muli %arg1, %mul3A : i32
    %add3A = arith.addi %mul3A_0, %arg0 : i32
    %mul3A_1 = arith.constant 20480 : i32
    %mul3A_2 = arith.muli %add3A, %mul3A_1 : i32
    %scan3A = arith.constant 0 : i32
    %scan3A_3 = arith.constant 0 : i32
    %scan3A_4 = arith.constant 20 : i32
    %scan3A_5 = arith.addi %scan3A_3, %scan3A_4 : i32
    %scan3A_6 = arith.constant 1 : i32
    scf.for %scan3A_8 = %scan3A_3 to %scan3A_5 step %scan3A_6  : i32 {
      %mul3A_9 = arith.constant 1024 : i32
      %mul3A_10 = arith.muli %scan3A_8, %mul3A_9 : i32
      %add3A_11 = arith.addi %mul3A_2, %mul3A_10 : i32
      "tpu.region"() ({
        %run_scoped3A = tpu.sem_alloc : memref<!tpu.dma_semaphore, #tpu.memory_space<semaphore_mem>>
        %dma_start3A_16 = tpu.memref_slice %arg3[%add3A_11] : memref<655360xi32, #tpu.memory_space<hbm>> -> memref<1024xi32, #tpu.memory_space<hbm>>
        %dma_start3A_17 = tpu.memref_slice %arg3[%add3A_11] : memref<655360xi32, #tpu.memory_space<hbm>> -> memref<1024xi32, #tpu.memory_space<hbm>>
        tpu.enqueue_dma source(%dma_start3A_17 : memref<1024xi32, #tpu.memory_space<hbm>>) target(%arg5 : memref<1024xi32, #tpu.memory_space<vmem>>) target_semaphore(%run_scoped3A : memref<!tpu.dma_semaphore, #tpu.memory_space<semaphore_mem>>)
        %dma_wait3A_18 = tpu.memref_slice %arg3[%add3A_11] : memref<655360xi32, #tpu.memory_space<hbm>> -> memref<1024xi32, #tpu.memory_space<hbm>>
        %dma_wait3A_19 = tpu.memref_slice %arg3[%add3A_11] : memref<655360xi32, #tpu.memory_space<hbm>> -> memref<1024xi32, #tpu.memory_space<hbm>>
        tpu.wait_dma2 semaphore(%run_scoped3A : memref<!tpu.dma_semaphore, #tpu.memory_space<semaphore_mem>>) src(%dma_wait3A_19 : memref<1024xi32, #tpu.memory_space<hbm>>) dst(%arg5 : memref<1024xi32, #tpu.memory_space<vmem>>)
        tpu.yield
      }) : () -> ()
      %dma_start3A = arith.constant 0 : i32
      %dma_start3A_12 = arith.constant 0 : i32
      %dma_start3A_13 = tpu.memref_slice %arg2[%dma_start3A, %dma_start3A_12] : memref<1000000x16xf32, #tpu.memory_space<hbm>> -> memref<1000000x16xf32, #tpu.memory_space<hbm>>
      tpu.enqueue_indirect_dma source(%dma_start3A_13 : memref<1000000x16xf32, #tpu.memory_space<hbm>>) target(%arg6 : memref<1024x16xf32, #tpu.memory_space<vmem>>) offsets(%arg5 : memref<1024xi32, #tpu.memory_space<vmem>>) semaphore(%arg7 : memref<!tpu.dma_semaphore, #tpu.memory_space<semaphore_mem>>)
      %dma_wait3A = arith.constant 0 : i32
      %dma_wait3A_14 = arith.constant 0 : i32
      %dma_wait3A_15 = tpu.memref_slice %arg2[%dma_wait3A, %dma_wait3A_14] : memref<1000000x16xf32, #tpu.memory_space<hbm>> -> memref<1000000x16xf32, #tpu.memory_space<hbm>>
      tpu.wait_indirect_dma semaphore(%arg7 : memref<!tpu.dma_semaphore, #tpu.memory_space<semaphore_mem>>) src(%dma_wait3A_15 : memref<1000000x16xf32, #tpu.memory_space<hbm>>) dst(%arg6 : memref<1024x16xf32, #tpu.memory_space<vmem>>)
      "tpu.region"() ({
        %run_scoped3A = tpu.sem_alloc : memref<!tpu.dma_semaphore, #tpu.memory_space<semaphore_mem>>
        %dma_start3A_16 = arith.constant 0 : i32
        %dma_start3A_17 = tpu.memref_slice %arg4[%add3A_11, %dma_start3A_16] : memref<655360x16xf32, #tpu.memory_space<hbm>> -> memref<1024x16xf32, #tpu.memory_space<hbm>>
        %dma_start3A_18 = arith.constant 0 : i32
        %dma_start3A_19 = tpu.memref_slice %arg4[%add3A_11, %dma_start3A_18] : memref<655360x16xf32, #tpu.memory_space<hbm>> -> memref<1024x16xf32, #tpu.memory_space<hbm>>
        tpu.enqueue_dma source(%arg6 : memref<1024x16xf32, #tpu.memory_space<vmem>>) target(%dma_start3A_19 : memref<1024x16xf32, #tpu.memory_space<hbm>>) target_semaphore(%run_scoped3A : memref<!tpu.dma_semaphore, #tpu.memory_space<semaphore_mem>>)
        %dma_wait3A_20 = arith.constant 0 : i32
        %dma_wait3A_21 = tpu.memref_slice %arg4[%add3A_11, %dma_wait3A_20] : memref<655360x16xf32, #tpu.memory_space<hbm>> -> memref<1024x16xf32, #tpu.memory_space<hbm>>
        %dma_wait3A_22 = arith.constant 0 : i32
        %dma_wait3A_23 = tpu.memref_slice %arg4[%add3A_11, %dma_wait3A_22] : memref<655360x16xf32, #tpu.memory_space<hbm>> -> memref<1024x16xf32, #tpu.memory_space<hbm>>
        tpu.wait_dma2 semaphore(%run_scoped3A : memref<!tpu.dma_semaphore, #tpu.memory_space<semaphore_mem>>) src(%arg6 : memref<1024x16xf32, #tpu.memory_space<vmem>>) dst(%dma_wait3A_23 : memref<1024x16xf32, #tpu.memory_space<hbm>>)
        tpu.yield
      }) : () -> ()
    }
    %scan3A_7 = arith.constant 20 : i32
    return
  }
}

#map = affine_map<(d0, d1) -> (0, 0)>
#map1 = affine_map<(d0, d1) -> (0)>
module attributes {stable_mosaic.version = 14 : i64} {
  func.func @gather_kernel(%arg0: i32, %arg1: i32, %arg2: memref<1000000x16xf32, #tpu.memory_space<hbm>>, %arg3: memref<655360xi32, #tpu.memory_space<hbm>>, %arg4: memref<655360x16xf32, #tpu.memory_space<hbm>>, %arg5: memref<1024xi32, #tpu.memory_space<vmem>>, %arg6: memref<1024x16xf32, #tpu.memory_space<vmem>>, %arg7: memref<!tpu.dma_semaphore, #tpu.memory_space<semaphore_mem>>) attributes {dimension_semantics = [#tpu.dimension_semantics<core_parallel>, #tpu.dimension_semantics<subcore_parallel>], iteration_bounds = array<i64: 2, 16>, scalar_prefetch = 0 : i64, scratch_operands = 3 : i64, tpu.core_type = #tpu.core_type<sc_vector_subcore>, window_params = [{transform_indices = #map}, {transform_indices = #map1}, {transform_indices = #map}]} {
    %mul3A = arith.constant 2 : i32
    %mul3A_0 = arith.muli %arg1, %mul3A : i32
    %add3A = arith.addi %mul3A_0, %arg0 : i32
    %mul3A_1 = arith.constant 20480 : i32
    %mul3A_2 = arith.muli %add3A, %mul3A_1 : i32
    %scan3A = arith.constant 0 : i32
    %scan3A_3 = arith.constant 0 : i32
    %scan3A_4 = arith.constant 20 : i32
    %scan3A_5 = arith.addi %scan3A_3, %scan3A_4 : i32
    %scan3A_6 = arith.constant 1 : i32
    scf.for %scan3A_8 = %scan3A_3 to %scan3A_5 step %scan3A_6  : i32 {
      %mul3A_9 = arith.constant 1024 : i32
      %mul3A_10 = arith.muli %scan3A_8, %mul3A_9 : i32
      %add3A_11 = arith.addi %mul3A_2, %mul3A_10 : i32
      "tpu.region"() ({
        %run_scoped3A = tpu.sem_alloc : memref<!tpu.dma_semaphore, #tpu.memory_space<semaphore_mem>>
        %dma_start3A_16 = tpu.memref_slice %arg3[%add3A_11] : memref<655360xi32, #tpu.memory_space<hbm>> -> memref<1024xi32, #tpu.memory_space<hbm>>
        %dma_start3A_17 = tpu.memref_slice %arg3[%add3A_11] : memref<655360xi32, #tpu.memory_space<hbm>> -> memref<1024xi32, #tpu.memory_space<hbm>>
        tpu.enqueue_dma source(%dma_start3A_17 : memref<1024xi32, #tpu.memory_space<hbm>>) target(%arg5 : memref<1024xi32, #tpu.memory_space<vmem>>) target_semaphore(%run_scoped3A : memref<!tpu.dma_semaphore, #tpu.memory_space<semaphore_mem>>)
        %dma_wait3A_18 = tpu.memref_slice %arg3[%add3A_11] : memref<655360xi32, #tpu.memory_space<hbm>> -> memref<1024xi32, #tpu.memory_space<hbm>>
        %dma_wait3A_19 = tpu.memref_slice %arg3[%add3A_11] : memref<655360xi32, #tpu.memory_space<hbm>> -> memref<1024xi32, #tpu.memory_space<hbm>>
        tpu.wait_dma2 semaphore(%run_scoped3A : memref<!tpu.dma_semaphore, #tpu.memory_space<semaphore_mem>>) src(%dma_wait3A_19 : memref<1024xi32, #tpu.memory_space<hbm>>) dst(%arg5 : memref<1024xi32, #tpu.memory_space<vmem>>)
        tpu.yield
      }) : () -> ()
      %dma_start3A = arith.constant 0 : i32
      %dma_start3A_12 = arith.constant 0 : i32
      %dma_start3A_13 = tpu.memref_slice %arg2[%dma_start3A, %dma_start3A_12] : memref<1000000x16xf32, #tpu.memory_space<hbm>> -> memref<1000000x16xf32, #tpu.memory_space<hbm>>
      tpu.enqueue_indirect_dma source(%dma_start3A_13 : memref<1000000x16xf32, #tpu.memory_space<hbm>>) target(%arg6 : memref<1024x16xf32, #tpu.memory_space<vmem>>) offsets(%arg5 : memref<1024xi32, #tpu.memory_space<vmem>>) semaphore(%arg7 : memref<!tpu.dma_semaphore, #tpu.memory_space<semaphore_mem>>)
      %dma_wait3A = arith.constant 0 : i32
      %dma_wait3A_14 = arith.constant 0 : i32
      %dma_wait3A_15 = tpu.memref_slice %arg2[%dma_wait3A, %dma_wait3A_14] : memref<1000000x16xf32, #tpu.memory_space<hbm>> -> memref<1000000x16xf32, #tpu.memory_space<hbm>>
      tpu.wait_indirect_dma semaphore(%arg7 : memref<!tpu.dma_semaphore, #tpu.memory_space<semaphore_mem>>) src(%dma_wait3A_15 : memref<1000000x16xf32, #tpu.memory_space<hbm>>) dst(%arg6 : memref<1024x16xf32, #tpu.memory_space<vmem>>)
      "tpu.region"() ({
        %run_scoped3A = tpu.sem_alloc : memref<!tpu.dma_semaphore, #tpu.memory_space<semaphore_mem>>
        %dma_start3A_16 = arith.constant 0 : i32
        %dma_start3A_17 = tpu.memref_slice %arg4[%add3A_11, %dma_start3A_16] : memref<655360x16xf32, #tpu.memory_space<hbm>> -> memref<1024x16xf32, #tpu.memory_space<hbm>>
        %dma_start3A_18 = arith.constant 0 : i32
        %dma_start3A_19 = tpu.memref_slice %arg4[%add3A_11, %dma_start3A_18] : memref<655360x16xf32, #tpu.memory_space<hbm>> -> memref<1024x16xf32, #tpu.memory_space<hbm>>
        tpu.enqueue_dma source(%arg6 : memref<1024x16xf32, #tpu.memory_space<vmem>>) target(%dma_start3A_19 : memref<1024x16xf32, #tpu.memory_space<hbm>>) target_semaphore(%run_scoped3A : memref<!tpu.dma_semaphore, #tpu.memory_space<semaphore_mem>>)
        %dma_wait3A_20 = arith.constant 0 : i32
        %dma_wait3A_21 = tpu.memref_slice %arg4[%add3A_11, %dma_wait3A_20] : memref<655360x16xf32, #tpu.memory_space<hbm>> -> memref<1024x16xf32, #tpu.memory_space<hbm>>
        %dma_wait3A_22 = arith.constant 0 : i32
        %dma_wait3A_23 = tpu.memref_slice %arg4[%add3A_11, %dma_wait3A_22] : memref<655360x16xf32, #tpu.memory_space<hbm>> -> memref<1024x16xf32, #tpu.memory_space<hbm>>
        tpu.wait_dma2 semaphore(%run_scoped3A : memref<!tpu.dma_semaphore, #tpu.memory_space<semaphore_mem>>) src(%arg6 : memref<1024x16xf32, #tpu.memory_space<vmem>>) dst(%dma_wait3A_23 : memref<1024x16xf32, #tpu.memory_space<hbm>>)
        tpu.yield
      }) : () -> ()
    }
    %scan3A_7 = arith.constant 20 : i32
    return
  }
}

#map = affine_map<(d0, d1) -> (0, 0)>
#map1 = affine_map<(d0, d1) -> (0)>
module attributes {stable_mosaic.version = 14 : i64} {
  func.func @gather_kernel(%arg0: i32, %arg1: i32, %arg2: memref<1000000x16xf32, #tpu.memory_space<hbm>>, %arg3: memref<655360xi32, #tpu.memory_space<hbm>>, %arg4: memref<655360x16xf32, #tpu.memory_space<hbm>>, %arg5: memref<1024xi32, #tpu.memory_space<vmem>>, %arg6: memref<1024x16xf32, #tpu.memory_space<vmem>>, %arg7: memref<!tpu.dma_semaphore, #tpu.memory_space<semaphore_mem>>) attributes {dimension_semantics = [#tpu.dimension_semantics<core_parallel>, #tpu.dimension_semantics<subcore_parallel>], iteration_bounds = array<i64: 2, 16>, scalar_prefetch = 0 : i64, scratch_operands = 3 : i64, tpu.core_type = #tpu.core_type<sc_vector_subcore>, window_params = [{transform_indices = #map}, {transform_indices = #map1}, {transform_indices = #map}]} {
    %mul3A = arith.constant 2 : i32
    %mul3A_0 = arith.muli %arg1, %mul3A : i32
    %add3A = arith.addi %mul3A_0, %arg0 : i32
    %mul3A_1 = arith.constant 20480 : i32
    %mul3A_2 = arith.muli %add3A, %mul3A_1 : i32
    %scan3A = arith.constant 0 : i32
    %scan3A_3 = arith.constant 0 : i32
    %scan3A_4 = arith.constant 20 : i32
    %scan3A_5 = arith.addi %scan3A_3, %scan3A_4 : i32
    %scan3A_6 = arith.constant 1 : i32
    scf.for %scan3A_8 = %scan3A_3 to %scan3A_5 step %scan3A_6  : i32 {
      %mul3A_9 = arith.constant 1024 : i32
      %mul3A_10 = arith.muli %scan3A_8, %mul3A_9 : i32
      %add3A_11 = arith.addi %mul3A_2, %mul3A_10 : i32
      "tpu.region"() ({
        %run_scoped3A = tpu.sem_alloc : memref<!tpu.dma_semaphore, #tpu.memory_space<semaphore_mem>>
        %dma_start3A_16 = tpu.memref_slice %arg3[%add3A_11] : memref<655360xi32, #tpu.memory_space<hbm>> -> memref<1024xi32, #tpu.memory_space<hbm>>
        %dma_start3A_17 = tpu.memref_slice %arg3[%add3A_11] : memref<655360xi32, #tpu.memory_space<hbm>> -> memref<1024xi32, #tpu.memory_space<hbm>>
        tpu.enqueue_dma source(%dma_start3A_17 : memref<1024xi32, #tpu.memory_space<hbm>>) target(%arg5 : memref<1024xi32, #tpu.memory_space<vmem>>) target_semaphore(%run_scoped3A : memref<!tpu.dma_semaphore, #tpu.memory_space<semaphore_mem>>)
        %dma_wait3A_18 = tpu.memref_slice %arg3[%add3A_11] : memref<655360xi32, #tpu.memory_space<hbm>> -> memref<1024xi32, #tpu.memory_space<hbm>>
        %dma_wait3A_19 = tpu.memref_slice %arg3[%add3A_11] : memref<655360xi32, #tpu.memory_space<hbm>> -> memref<1024xi32, #tpu.memory_space<hbm>>
        tpu.wait_dma2 semaphore(%run_scoped3A : memref<!tpu.dma_semaphore, #tpu.memory_space<semaphore_mem>>) src(%dma_wait3A_19 : memref<1024xi32, #tpu.memory_space<hbm>>) dst(%arg5 : memref<1024xi32, #tpu.memory_space<vmem>>)
        tpu.yield
      }) : () -> ()
      %dma_start3A = arith.constant 0 : i32
      %dma_start3A_12 = arith.constant 0 : i32
      %dma_start3A_13 = tpu.memref_slice %arg2[%dma_start3A, %dma_start3A_12] : memref<1000000x16xf32, #tpu.memory_space<hbm>> -> memref<1000000x16xf32, #tpu.memory_space<hbm>>
      tpu.enqueue_indirect_dma source(%dma_start3A_13 : memref<1000000x16xf32, #tpu.memory_space<hbm>>) target(%arg6 : memref<1024x16xf32, #tpu.memory_space<vmem>>) offsets(%arg5 : memref<1024xi32, #tpu.memory_space<vmem>>) semaphore(%arg7 : memref<!tpu.dma_semaphore, #tpu.memory_space<semaphore_mem>>)
      %dma_wait3A = arith.constant 0 : i32
      %dma_wait3A_14 = arith.constant 0 : i32
      %dma_wait3A_15 = tpu.memref_slice %arg2[%dma_wait3A, %dma_wait3A_14] : memref<1000000x16xf32, #tpu.memory_space<hbm>> -> memref<1000000x16xf32, #tpu.memory_space<hbm>>
      tpu.wait_indirect_dma semaphore(%arg7 : memref<!tpu.dma_semaphore, #tpu.memory_space<semaphore_mem>>) src(%dma_wait3A_15 : memref<1000000x16xf32, #tpu.memory_space<hbm>>) dst(%arg6 : memref<1024x16xf32, #tpu.memory_space<vmem>>)
      "tpu.region"() ({
        %run_scoped3A = tpu.sem_alloc : memref<!tpu.dma_semaphore, #tpu.memory_space<semaphore_mem>>
        %dma_start3A_16 = arith.constant 0 : i32
        %dma_start3A_17 = tpu.memref_slice %arg4[%add3A_11, %dma_start3A_16] : memref<655360x16xf32, #tpu.memory_space<hbm>> -> memref<1024x16xf32, #tpu.memory_space<hbm>>
        %dma_start3A_18 = arith.constant 0 : i32
        %dma_start3A_19 = tpu.memref_slice %arg4[%add3A_11, %dma_start3A_18] : memref<655360x16xf32, #tpu.memory_space<hbm>> -> memref<1024x16xf32, #tpu.memory_space<hbm>>
        tpu.enqueue_dma source(%arg6 : memref<1024x16xf32, #tpu.memory_space<vmem>>) target(%dma_start3A_19 : memref<1024x16xf32, #tpu.memory_space<hbm>>) target_semaphore(%run_scoped3A : memref<!tpu.dma_semaphore, #tpu.memory_space<semaphore_mem>>)
        %dma_wait3A_20 = arith.constant 0 : i32
        %dma_wait3A_21 = tpu.memref_slice %arg4[%add3A_11, %dma_wait3A_20] : memref<655360x16xf32, #tpu.memory_space<hbm>> -> memref<1024x16xf32, #tpu.memory_space<hbm>>
        %dma_wait3A_22 = arith.constant 0 : i32
        %dma_wait3A_23 = tpu.memref_slice %arg4[%add3A_11, %dma_wait3A_22] : memref<655360x16xf32, #tpu.memory_space<hbm>> -> memref<1024x16xf32, #tpu.memory_space<hbm>>
        tpu.wait_dma2 semaphore(%run_scoped3A : memref<!tpu.dma_semaphore, #tpu.memory_space<semaphore_mem>>) src(%arg6 : memref<1024x16xf32, #tpu.memory_space<vmem>>) dst(%dma_wait3A_23 : memref<1024x16xf32, #tpu.memory_space<hbm>>)
        tpu.yield
      }) : () -> ()
    }
    %scan3A_7 = arith.constant 20 : i32
    return
  }
}

module attributes {stable_mosaic.version = 14 : i64} {
  func.func @body(%arg0: i32, %arg1: i32, %arg2: memref<512x128xf32, #tpu.memory_space<vmem>>, %arg3: memref<2048x128xf32, #tpu.memory_space<vmem>>, %arg4: memref<8x64x2048xf32, #tpu.memory_space<vmem>>) attributes {dimension_semantics = [#tpu.dimension_semantics<arbitrary>, #tpu.dimension_semantics<arbitrary>], iteration_bounds = array<i64: 5, 8>, scalar_prefetch = 0 : i64, scratch_operands = 0 : i64, tpu.core_type = #tpu.core_type<tc>, window_params = [{pipeline_mode = #tpu.pipeline_mode<synchronous>, transform_indices = @transform_0, window_bounds = array<i64: 512, 128>}, {transform_indices = @transform_1, window_bounds = array<i64: 2048, 128>}, {transform_indices = @transform_2, window_bounds = array<i64: 8, 64, 2048>}]} {
    %get3A = arith.constant 0 : index
    %get3A_0 = arith.constant 0 : index
    %get3A_1 = vector.load %arg2[%get3A, %get3A_0] : memref<512x128xf32, #tpu.memory_space<vmem>>, vector<512x128xf32>
    %get3A_2 = arith.constant 0 : index
    %get3A_3 = arith.constant 0 : index
    %get3A_4 = vector.load %arg3[%get3A_2, %get3A_3] : memref<2048x128xf32, #tpu.memory_space<vmem>>, vector<2048x128xf32>
    %dot_general3A = arith.constant dense<0.000000e+00> : vector<512x2048xf32>
    %dot_general3A_5 = tpu.matmul %get3A_1, %get3A_4, %dot_general3A {dimension_numbers = #tpu.dot_dimension_numbers<[1], [1], [0], [0], [0, 0, 1, 0], [], []>, transpose_lhs_hint = false} : vector<512x128xf32>, vector<2048x128xf32>, vector<512x2048xf32> -> vector<512x2048xf32>
    %reshape3A = vector.shape_cast %dot_general3A_5 : vector<512x2048xf32> to vector<8x64x2048xf32>
    %swap3A = arith.constant 0 : index
    %swap3A_6 = arith.constant 0 : index
    %swap3A_7 = arith.constant 0 : index
    %swap3A_8 = vector.load %arg4[%swap3A, %swap3A_6, %swap3A_7] : memref<8x64x2048xf32, #tpu.memory_space<vmem>>, vector<8x64x2048xf32>
    tpu.vector_store %arg4[%swap3A, %swap3A_6, %swap3A_7], %reshape3A {strides = array<i32>} : memref<8x64x2048xf32, #tpu.memory_space<vmem>>, vector<8x64x2048xf32>,
    return
  }
  func.func @transform_0(%arg0: i32, %arg1: i32) -> (i32, i32) {
    %c0_i32 = arith.constant 0 : i32
    %c0_i32_0 = arith.constant 0 : i32
    %c0_i32_1 = arith.constant 0 : i32
    return %c0_i32, %c0_i32_0 : i32, i32
  }
  func.func @transform_1(%arg0: i32, %arg1: i32) -> (i32, i32) {
    %mul3A = arith.constant 8 : i32
    %mul3A_0 = arith.muli %arg0, %mul3A : i32
    %add3A = arith.addi %mul3A_0, %arg1 : i32
    %c0_i32 = arith.constant 0 : i32
    %c0_i32_1 = arith.constant 0 : i32
    return %add3A, %c0_i32 : i32, i32
  }
  func.func @transform_2(%arg0: i32, %arg1: i32) -> (i32, i32, i32) {
    %add3A = arith.constant 0 : i32
    %add3A_0 = arith.addi %add3A, %arg0 : i32
    %c0_i32 = arith.constant 0 : i32
    %c0_i32_1 = arith.constant 0 : i32
    return %add3A_0, %c0_i32, %arg1 : i32, i32, i32
  }
}

module attributes {stable_mosaic.version = 14 : i64} {
  func.func @body(%arg0: i32, %arg1: i32, %arg2: memref<512x128xf32, #tpu.memory_space<vmem>>, %arg3: memref<2048x128xf32, #tpu.memory_space<vmem>>, %arg4: memref<8x64x2048xf32, #tpu.memory_space<vmem>>, %arg5: memref<8x64x2048xf32, #tpu.memory_space<vmem>>) attributes {dimension_semantics = [#tpu.dimension_semantics<arbitrary>, #tpu.dimension_semantics<arbitrary>], iteration_bounds = array<i64: 5, 8>, scalar_prefetch = 0 : i64, scratch_operands = 0 : i64, tpu.core_type = #tpu.core_type<tc>, window_params = [{pipeline_mode = #tpu.pipeline_mode<synchronous>, transform_indices = @transform_0, window_bounds = array<i64: 512, 128>}, {transform_indices = @transform_1, window_bounds = array<i64: 2048, 128>}, {transform_indices = @transform_2, window_bounds = array<i64: 8, 64, 2048>}, {transform_indices = @transform_3, window_bounds = array<i64: 8, 64, 2048>}]} {
    %get3A = arith.constant 0 : index
    %get3A_0 = arith.constant 0 : index
    %get3A_1 = vector.load %arg2[%get3A, %get3A_0] : memref<512x128xf32, #tpu.memory_space<vmem>>, vector<512x128xf32>
    %get3A_2 = arith.constant 0 : index
    %get3A_3 = arith.constant 0 : index
    %get3A_4 = vector.load %arg3[%get3A_2, %get3A_3] : memref<2048x128xf32, #tpu.memory_space<vmem>>, vector<2048x128xf32>
    %dot_general3A = arith.constant dense<0.000000e+00> : vector<512x2048xf32>
    %dot_general3A_5 = tpu.matmul %get3A_1, %get3A_4, %dot_general3A {dimension_numbers = #tpu.dot_dimension_numbers<[1], [1], [0], [0], [0, 0, 1, 0], [], []>, transpose_lhs_hint = false} : vector<512x128xf32>, vector<2048x128xf32>, vector<512x2048xf32> -> vector<512x2048xf32>
    %reshape3A = vector.shape_cast %dot_general3A_5 : vector<512x2048xf32> to vector<8x64x2048xf32>
    %swap3A = arith.constant 0 : index
    %swap3A_6 = arith.constant 0 : index
    %swap3A_7 = arith.constant 0 : index
    %swap3A_8 = vector.load %arg5[%swap3A, %swap3A_6, %swap3A_7] : memref<8x64x2048xf32, #tpu.memory_space<vmem>>, vector<8x64x2048xf32>
    tpu.vector_store %arg5[%swap3A, %swap3A_6, %swap3A_7], %reshape3A {strides = array<i32>} : memref<8x64x2048xf32, #tpu.memory_space<vmem>>, vector<8x64x2048xf32>,
    return
  }
  func.func @transform_0(%arg0: i32, %arg1: i32) -> (i32, i32) {
    %c0_i32 = arith.constant 0 : i32
    %c0_i32_0 = arith.constant 0 : i32
    %c0_i32_1 = arith.constant 0 : i32
    return %c0_i32, %c0_i32_0 : i32, i32
  }
  func.func @transform_1(%arg0: i32, %arg1: i32) -> (i32, i32) {
    %mul3A = arith.constant 8 : i32
    %mul3A_0 = arith.muli %arg0, %mul3A : i32
    %add3A = arith.addi %mul3A_0, %arg1 : i32
    %c0_i32 = arith.constant 0 : i32
    %c0_i32_1 = arith.constant 0 : i32
    return %add3A, %c0_i32 : i32, i32
  }
  func.func @transform_2(%arg0: i32, %arg1: i32) -> (i32, i32, i32) {
    %c0_i32 = arith.constant 0 : i32
    %c0_i32_0 = arith.constant 0 : i32
    %c0_i32_1 = arith.constant 0 : i32
    %c0_i32_2 = arith.constant 0 : i32
    return %c0_i32, %c0_i32_0, %c0_i32_1 : i32, i32, i32
  }
  func.func @transform_3(%arg0: i32, %arg1: i32) -> (i32, i32, i32) {
    %add3A = arith.constant 5 : i32
    %add3A_0 = arith.addi %add3A, %arg0 : i32
    %c0_i32 = arith.constant 0 : i32
    %c0_i32_1 = arith.constant 0 : i32
    return %add3A_0, %c0_i32, %arg1 : i32, i32, i32
  }
}

module attributes {stable_mosaic.version = 14 : i64} {
  func.func @body(%arg0: i32, %arg1: i32, %arg2: memref<512x128xf32, #tpu.memory_space<vmem>>, %arg3: memref<2048x128xf32, #tpu.memory_space<vmem>>, %arg4: memref<8x64x2048xf32, #tpu.memory_space<vmem>>, %arg5: memref<8x64x2048xf32, #tpu.memory_space<vmem>>) attributes {dimension_semantics = [#tpu.dimension_semantics<arbitrary>, #tpu.dimension_semantics<arbitrary>], iteration_bounds = array<i64: 5, 8>, scalar_prefetch = 0 : i64, scratch_operands = 0 : i64, tpu.core_type = #tpu.core_type<tc>, window_params = [{pipeline_mode = #tpu.pipeline_mode<synchronous>, transform_indices = @transform_0, window_bounds = array<i64: 512, 128>}, {transform_indices = @transform_1, window_bounds = array<i64: 2048, 128>}, {transform_indices = @transform_2, window_bounds = array<i64: 8, 64, 2048>}, {transform_indices = @transform_3, window_bounds = array<i64: 8, 64, 2048>}]} {
    %get3A = arith.constant 0 : index
    %get3A_0 = arith.constant 0 : index
    %get3A_1 = vector.load %arg2[%get3A, %get3A_0] : memref<512x128xf32, #tpu.memory_space<vmem>>, vector<512x128xf32>
    %get3A_2 = arith.constant 0 : index
    %get3A_3 = arith.constant 0 : index
    %get3A_4 = vector.load %arg3[%get3A_2, %get3A_3] : memref<2048x128xf32, #tpu.memory_space<vmem>>, vector<2048x128xf32>
    %dot_general3A = arith.constant dense<0.000000e+00> : vector<512x2048xf32>
    %dot_general3A_5 = tpu.matmul %get3A_1, %get3A_4, %dot_general3A {dimension_numbers = #tpu.dot_dimension_numbers<[1], [1], [0], [0], [0, 0, 1, 0], [], []>, transpose_lhs_hint = false} : vector<512x128xf32>, vector<2048x128xf32>, vector<512x2048xf32> -> vector<512x2048xf32>
    %reshape3A = vector.shape_cast %dot_general3A_5 : vector<512x2048xf32> to vector<8x64x2048xf32>
    %swap3A = arith.constant 0 : index
    %swap3A_6 = arith.constant 0 : index
    %swap3A_7 = arith.constant 0 : index
    %swap3A_8 = vector.load %arg5[%swap3A, %swap3A_6, %swap3A_7] : memref<8x64x2048xf32, #tpu.memory_space<vmem>>, vector<8x64x2048xf32>
    tpu.vector_store %arg5[%swap3A, %swap3A_6, %swap3A_7], %reshape3A {strides = array<i32>} : memref<8x64x2048xf32, #tpu.memory_space<vmem>>, vector<8x64x2048xf32>,
    return
  }
  func.func @transform_0(%arg0: i32, %arg1: i32) -> (i32, i32) {
    %c0_i32 = arith.constant 0 : i32
    %c0_i32_0 = arith.constant 0 : i32
    %c0_i32_1 = arith.constant 0 : i32
    return %c0_i32, %c0_i32_0 : i32, i32
  }
  func.func @transform_1(%arg0: i32, %arg1: i32) -> (i32, i32) {
    %mul3A = arith.constant 8 : i32
    %mul3A_0 = arith.muli %arg0, %mul3A : i32
    %add3A = arith.addi %mul3A_0, %arg1 : i32
    %c0_i32 = arith.constant 0 : i32
    %c0_i32_1 = arith.constant 0 : i32
    return %add3A, %c0_i32 : i32, i32
  }
  func.func @transform_2(%arg0: i32, %arg1: i32) -> (i32, i32, i32) {
    %c0_i32 = arith.constant 0 : i32
    %c0_i32_0 = arith.constant 0 : i32
    %c0_i32_1 = arith.constant 0 : i32
    %c0_i32_2 = arith.constant 0 : i32
    return %c0_i32, %c0_i32_0, %c0_i32_1 : i32, i32, i32
  }
  func.func @transform_3(%arg0: i32, %arg1: i32) -> (i32, i32, i32) {
    %add3A = arith.constant 10 : i32
    %add3A_0 = arith.addi %add3A, %arg0 : i32
    %c0_i32 = arith.constant 0 : i32
    %c0_i32_1 = arith.constant 0 : i32
    return %add3A_0, %c0_i32, %arg1 : i32, i32, i32
  }
}

module attributes {stable_mosaic.version = 14 : i64} {
  func.func @body(%arg0: i32, %arg1: i32, %arg2: memref<512x128xf32, #tpu.memory_space<vmem>>, %arg3: memref<2048x128xf32, #tpu.memory_space<vmem>>, %arg4: memref<8x64x2048xf32, #tpu.memory_space<vmem>>, %arg5: memref<8x64x2048xf32, #tpu.memory_space<vmem>>) attributes {dimension_semantics = [#tpu.dimension_semantics<arbitrary>, #tpu.dimension_semantics<arbitrary>], iteration_bounds = array<i64: 5, 8>, scalar_prefetch = 0 : i64, scratch_operands = 0 : i64, tpu.core_type = #tpu.core_type<tc>, window_params = [{pipeline_mode = #tpu.pipeline_mode<synchronous>, transform_indices = @transform_0, window_bounds = array<i64: 512, 128>}, {transform_indices = @transform_1, window_bounds = array<i64: 2048, 128>}, {transform_indices = @transform_2, window_bounds = array<i64: 8, 64, 2048>}, {transform_indices = @transform_3, window_bounds = array<i64: 8, 64, 2048>}]} {
    %get3A = arith.constant 0 : index
    %get3A_0 = arith.constant 0 : index
    %get3A_1 = vector.load %arg2[%get3A, %get3A_0] : memref<512x128xf32, #tpu.memory_space<vmem>>, vector<512x128xf32>
    %get3A_2 = arith.constant 0 : index
    %get3A_3 = arith.constant 0 : index
    %get3A_4 = vector.load %arg3[%get3A_2, %get3A_3] : memref<2048x128xf32, #tpu.memory_space<vmem>>, vector<2048x128xf32>
    %dot_general3A = arith.constant dense<0.000000e+00> : vector<512x2048xf32>
    %dot_general3A_5 = tpu.matmul %get3A_1, %get3A_4, %dot_general3A {dimension_numbers = #tpu.dot_dimension_numbers<[1], [1], [0], [0], [0, 0, 1, 0], [], []>, transpose_lhs_hint = false} : vector<512x128xf32>, vector<2048x128xf32>, vector<512x2048xf32> -> vector<512x2048xf32>
    %reshape3A = vector.shape_cast %dot_general3A_5 : vector<512x2048xf32> to vector<8x64x2048xf32>
    %swap3A = arith.constant 0 : index
    %swap3A_6 = arith.constant 0 : index
    %swap3A_7 = arith.constant 0 : index
    %swap3A_8 = vector.load %arg5[%swap3A, %swap3A_6, %swap3A_7] : memref<8x64x2048xf32, #tpu.memory_space<vmem>>, vector<8x64x2048xf32>
    tpu.vector_store %arg5[%swap3A, %swap3A_6, %swap3A_7], %reshape3A {strides = array<i32>} : memref<8x64x2048xf32, #tpu.memory_space<vmem>>, vector<8x64x2048xf32>,
    return
  }
  func.func @transform_0(%arg0: i32, %arg1: i32) -> (i32, i32) {
    %c0_i32 = arith.constant 0 : i32
    %c0_i32_0 = arith.constant 0 : i32
    %c0_i32_1 = arith.constant 0 : i32
    return %c0_i32, %c0_i32_0 : i32, i32
  }
  func.func @transform_1(%arg0: i32, %arg1: i32) -> (i32, i32) {
    %mul3A = arith.constant 8 : i32
    %mul3A_0 = arith.muli %arg0, %mul3A : i32
    %add3A = arith.addi %mul3A_0, %arg1 : i32
    %c0_i32 = arith.constant 0 : i32
    %c0_i32_1 = arith.constant 0 : i32
    return %add3A, %c0_i32 : i32, i32
  }
  func.func @transform_2(%arg0: i32, %arg1: i32) -> (i32, i32, i32) {
    %c0_i32 = arith.constant 0 : i32
    %c0_i32_0 = arith.constant 0 : i32
    %c0_i32_1 = arith.constant 0 : i32
    %c0_i32_2 = arith.constant 0 : i32
    return %c0_i32, %c0_i32_0, %c0_i32_1 : i32, i32, i32
  }
  func.func @transform_3(%arg0: i32, %arg1: i32) -> (i32, i32, i32) {
    %add3A = arith.constant 15 : i32
    %add3A_0 = arith.addi %add3A, %arg0 : i32
    %c0_i32 = arith.constant 0 : i32
    %c0_i32_1 = arith.constant 0 : i32
    return %add3A_0, %c0_i32, %arg1 : i32, i32, i32
  }
}

module attributes {stable_mosaic.version = 14 : i64} {
  func.func @body(%arg0: i32, %arg1: i32, %arg2: memref<512x128xf32, #tpu.memory_space<vmem>>, %arg3: memref<2048x128xf32, #tpu.memory_space<vmem>>, %arg4: memref<8x64x2048xf32, #tpu.memory_space<vmem>>, %arg5: memref<8x64x2048xf32, #tpu.memory_space<vmem>>) attributes {dimension_semantics = [#tpu.dimension_semantics<arbitrary>, #tpu.dimension_semantics<arbitrary>], iteration_bounds = array<i64: 5, 8>, scalar_prefetch = 0 : i64, scratch_operands = 0 : i64, tpu.core_type = #tpu.core_type<tc>, window_params = [{pipeline_mode = #tpu.pipeline_mode<synchronous>, transform_indices = @transform_0, window_bounds = array<i64: 512, 128>}, {transform_indices = @transform_1, window_bounds = array<i64: 2048, 128>}, {transform_indices = @transform_2, window_bounds = array<i64: 8, 64, 2048>}, {transform_indices = @transform_3, window_bounds = array<i64: 8, 64, 2048>}]} {
    %get3A = arith.constant 0 : index
    %get3A_0 = arith.constant 0 : index
    %get3A_1 = vector.load %arg2[%get3A, %get3A_0] : memref<512x128xf32, #tpu.memory_space<vmem>>, vector<512x128xf32>
    %get3A_2 = arith.constant 0 : index
    %get3A_3 = arith.constant 0 : index
    %get3A_4 = vector.load %arg3[%get3A_2, %get3A_3] : memref<2048x128xf32, #tpu.memory_space<vmem>>, vector<2048x128xf32>
    %dot_general3A = arith.constant dense<0.000000e+00> : vector<512x2048xf32>
    %dot_general3A_5 = tpu.matmul %get3A_1, %get3A_4, %dot_general3A {dimension_numbers = #tpu.dot_dimension_numbers<[1], [1], [0], [0], [0, 0, 1, 0], [], []>, transpose_lhs_hint = false} : vector<512x128xf32>, vector<2048x128xf32>, vector<512x2048xf32> -> vector<512x2048xf32>
    %reshape3A = vector.shape_cast %dot_general3A_5 : vector<512x2048xf32> to vector<8x64x2048xf32>
    %swap3A = arith.constant 0 : index
    %swap3A_6 = arith.constant 0 : index
    %swap3A_7 = arith.constant 0 : index
    %swap3A_8 = vector.load %arg5[%swap3A, %swap3A_6, %swap3A_7] : memref<8x64x2048xf32, #tpu.memory_space<vmem>>, vector<8x64x2048xf32>
    tpu.vector_store %arg5[%swap3A, %swap3A_6, %swap3A_7], %reshape3A {strides = array<i32>} : memref<8x64x2048xf32, #tpu.memory_space<vmem>>, vector<8x64x2048xf32>,
    return
  }
  func.func @transform_0(%arg0: i32, %arg1: i32) -> (i32, i32) {
    %c0_i32 = arith.constant 0 : i32
    %c0_i32_0 = arith.constant 0 : i32
    %c0_i32_1 = arith.constant 0 : i32
    return %c0_i32, %c0_i32_0 : i32, i32
  }
  func.func @transform_1(%arg0: i32, %arg1: i32) -> (i32, i32) {
    %mul3A = arith.constant 8 : i32
    %mul3A_0 = arith.muli %arg0, %mul3A : i32
    %add3A = arith.addi %mul3A_0, %arg1 : i32
    %c0_i32 = arith.constant 0 : i32
    %c0_i32_1 = arith.constant 0 : i32
    return %add3A, %c0_i32 : i32, i32
  }
  func.func @transform_2(%arg0: i32, %arg1: i32) -> (i32, i32, i32) {
    %c0_i32 = arith.constant 0 : i32
    %c0_i32_0 = arith.constant 0 : i32
    %c0_i32_1 = arith.constant 0 : i32
    %c0_i32_2 = arith.constant 0 : i32
    return %c0_i32, %c0_i32_0, %c0_i32_1 : i32, i32, i32
  }
  func.func @transform_3(%arg0: i32, %arg1: i32) -> (i32, i32, i32) {
    %add3A = arith.constant 20 : i32
    %add3A_0 = arith.addi %add3A, %arg0 : i32
    %c0_i32 = arith.constant 0 : i32
    %c0_i32_1 = arith.constant 0 : i32
    return %add3A_0, %c0_i32, %arg1 : i32, i32, i32
  }
}

</mosaic_0001>

<sc_bundles>
// kernel: kernel.12.cloned.1.call-start
scs
__scs_entry_jumppad:
0x0: {  	(pc) =	sbr.rel $0x88, $3  }
0x1: {  	(tag) =	ssettag $0x0;
	lr =	simm.s32 $0x1  }
0x2: {  	[smem:$0x3F9E] =	sst lr;
	_ =	strace $0xD0000000  }
0x3: {  	_ = 	snop  }
0x4: {  	_ = 	snop  }
0x5: {  	_ = 	snop  }
0x6: {  	_ = 	snop  }
0x7: {  	_ = 	snop  }
__scs_overlays_trampoline_lowered:
0x8: {  	[smem:$0x3FAD] =	sst s0  }
0x9: {  	[smem:$0x3FAE] =	sst s1  }
0xa: {  	[smem:$0x3FAF] =	sst s2  }
0xb: {  	[smem:$0x3FB0] =	sst s3  }
0xc: {  	[smem:$0x3FB1] =	sst s4  }
0xd: {  	[smem:$0x3FB2] =	sst s5  }
0xe: {  	[smem:$0x3FB3] =	sst s6  }
0xf: {  	[smem:$0x3FB4] =	sst s7  }
0x10: {  	[smem:$0x3FB5] =	sst s8  }
0x11: {  	[smem:$0x3FB6] =	sst s9;
	s0 =	simm.s32 @!p0 $0x0  }
0x12: {  	s1 =	sld [smem:$0x3F9C];
	s0 =	simm.s32 @p0 $0x1  }
0x13: {  	[smem:$0x3FB7] =	sst s0;
	s0 =	simm.s32 @!p1 $0x0  }
0x14: {  	s2 =	sld [smem:$0x3F9B];
	s0 =	simm.s32 @p1 $0x1  }
0x15: {  	[smem:$0x3FB8] =	sst s0;
	s0 =	simm.s32 @!p2 $0x0  }
0x16: {  	s3 =	sld [smem:$0x3FDB];
	s0 =	simm.s32 @p2 $0x1  }
0x17: {  	s4 =	simm.s32 $0x1BF5;
	[smem:$0x3FBA] =	sst s0  }
0x18: {  	s0 =	sld [smem:$0x3F9D];
	_ =	swait.ge [sflag:s4], $0x0  }
0x19: {  	s7 =	sld [smem:$0x3F9E]  }
0x1a: {  	s8 =	sadd.s32 $0xFFFFE003, lr  }
0x1b: {  	s9 =	sadd.s32 $0xFFFFFEF7, lr;
	s5 =	simm.s32 $0xFFFFFFFF;
	p2 =	slt.u32 s8, $0xFFFFF086  }
0x1c: {  	p1 =	slt.u32 s9, $0xF7A;
	s5 =	simm.s32 @!p2 $0x0  }
0x1d: {  	s5 =	simm.s32 @p1 $0x1;
	p0 =	seq.s32 s7, s2  }
0x1e: {  	s7 =	smul.u32 @!p0 $0xF7A, s2;
	p2 =	seq.s32 @!p0 s5, $0x0  }
0x1f: {  	s9 =	smul.u32 $0xF7A, s1;
	s8 =	simm.s32 @!p0 $0x1BF5;
	p2 =	por !p2, p0  }
0x20: {  	[sflag:s8] =	ssyncset.s32 @!p0 $0xFFFFF086;
	s6 =	sadd.s32 @!p0 s3, s7;
	s7 =	simm.s32 @!p0 $0x108  }
0x21: {  	s3 =	sadd.s32 s3, s9;
	s6 =	sadd.s32 @!p0 $0x88, s6;
	s7 =	simm.s32 @p2 $0x1082  }
0x22: {  	[simem:s7], [sflag:s8] =	dma.local @!p0 [hbm:s6], $0xF7A  }
0x23: {  	s9 =	sor.u32 $0xD0000000, s2;
	s6 =	simm.s32 $0x108;
	_ =	swait.ge @!p0 [sflag:s8], $0x0  }
0x24: {  	s3 =	sadd.s32 $0x88, s3;
	s6 =	simm.s32 @!p1 $0x1082;
	[sflag:s4] =	ssyncset.s32 $0xFFFFF086  }
0x25: {  	[simem:s6], [sflag:s4] =	dma.local [hbm:s3], $0xF7A  }
0x26: {  	[smem:$0x3F9E] =	sst s1;
	(tag) =	ssettag s2;
	_ =	strace s9  }
0x27: {  	s1 =	sld [smem:$0x3FAE]  }
0x28: {  	s2 =	sld [smem:$0x3FAF]  }
0x29: {  	s4 =	sld [smem:$0x3FB1]  }
0x2a: {  	p0 =	seq.s32 s5, $0x0;
	s5 =	sld [smem:$0x3FB2]  }
0x2b: {  	s6 =	sld [smem:$0x3FB3]  }
0x2c: {  	s7 =	sld [smem:$0x3FB4]  }
0x2d: {  	s3 =	simm.s32 $0x108;
	s8 =	sld [smem:$0x3FB5]  }
0x2e: {  	s3 =	simm.s32 @!p0 $0x1082;
	s9 =	sld [smem:$0x3FB6]  }
0x2f: {  	lr =	sadd.s32 s0, s3;
	s0 =	sld [smem:$0x3FAD]  }
0x30: {  	s3 =	sld [smem:$0x3FB0]  }
0x31: {  	[smem:$0x3FB9] =	sst s10  }
0x32: {  	s10 =	sld [smem:$0x3FB7];
	_ =	sdelay $0x3  }
0x33: {  	p0 =	seq.s32 s10, $0x1;
	s10 =	sld [smem:$0x3FB9];
	_ =	sdelay $0x3  }
0x34: {  	[smem:$0x3FB9] =	sst s10  }
0x35: {  	s10 =	sld [smem:$0x3FB8];
	_ =	sdelay $0x3  }
0x36: {  	p1 =	seq.s32 s10, $0x1;
	s10 =	sld [smem:$0x3FB9];
	_ =	sdelay $0x3  }
0x37: {  	[smem:$0x3FB9] =	sst s10  }
0x38: {  	s10 =	sld [smem:$0x3FBA]  }
0x39: {  	_ = 	snop;
	(pc) =	sbr.ind lr, $3  }
0x3a: {  	_ = 	snop  }
0x3b: {  	_ = 	snop  }
0x3c: {  	p2 =	seq.s32 s10, $0x1;
	s10 =	sld [smem:$0x3FB9]  }
0x3d: {  	_ =	shalt  }
0x3e: {  	_ =	shalt  }
0x3f: {  	_ =	shalt  }
0x40: {  	_ =	shalt  }
0x41: {  	_ =	shalt  }
0x42: {  	_ =	shalt  }
0x43: {  	_ =	shalt  }
0x44: {  	_ =	shalt  }
0x45: {  	_ =	shalt  }
0x46: {  	_ =	shalt  }
0x47: {  	_ =	shalt  }
0x48: {  	_ =	shalt  }
0x49: {  	_ =	shalt  }
0x4a: {  	_ =	shalt  }
0x4b: {  	_ =	shalt  }
0x4c: {  	_ =	shalt  }
0x4d: {  	_ =	shalt  }
0x4e: {  	_ =	shalt  }
0x4f: {  	_ =	shalt  }
0x50: {  	_ =	shalt  }
0x51: {  	_ =	shalt  }
0x52: {  	_ =	shalt  }
0x53: {  	_ =	shalt  }
0x54: {  	_ =	shalt  }
0x55: {  	_ =	shalt  }
0x56: {  	_ =	shalt  }
0x57: {  	_ =	shalt  }
0x58: {  	_ =	shalt  }
0x59: {  	_ =	shalt  }
0x5a: {  	_ =	shalt  }
0x5b: {  	_ =	shalt  }
0x5c: {  	_ =	shalt  }
0x5d: {  	_ =	shalt  }
0x5e: {  	_ =	shalt  }
0x5f: {  	_ =	shalt  }
0x60: {  	_ =	shalt  }
0x61: {  	_ =	shalt  }
0x62: {  	_ =	shalt  }
0x63: {  	_ =	shalt  }
0x64: {  	_ =	shalt  }
0x65: {  	_ =	shalt  }
0x66: {  	_ =	shalt  }
0x67: {  	_ =	shalt  }
0x68: {  	_ =	shalt  }
0x69: {  	_ =	shalt  }
0x6a: {  	_ =	shalt  }
0x6b: {  	_ =	shalt  }
0x6c: {  	_ =	shalt  }
0x6d: {  	_ =	shalt  }
0x6e: {  	_ =	shalt  }
0x6f: {  	_ =	shalt  }
0x70: {  	_ =	shalt  }
0x71: {  	_ =	shalt  }
0x72: {  	_ =	shalt  }
0x73: {  	_ =	shalt  }
0x74: {  	_ =	shalt  }
0x75: {  	_ =	shalt  }
0x76: {  	_ =	shalt  }
0x77: {  	_ =	shalt  }
0x78: {  	_ =	shalt  }
0x79: {  	_ =	shalt  }
0x7a: {  	_ =	shalt  }
0x7b: {  	_ =	shalt  }
0x7c: {  	_ =	shalt  }
0x7d: {  	_ =	shalt  }
0x7e: {  	_ =	shalt  }
0x7f: {  	_ =	shalt  }
0x80: {  	_ =	shalt  }
0x81: {  	_ =	shalt  }
0x82: {  	_ =	shalt  }
0x83: {  	_ =	shalt  }
0x84: {  	_ =	shalt  }
0x85: {  	_ =	shalt  }
0x86: {  	_ =	shalt  }
0x87: {  	_ =	shalt  }
.Lfunc_end0:
.L_simem_size_0:
called_computation_lowered:
.L_overlay_start_0:
0x88: {  	s2 =	sld [smem:$0x3FD9]  }
0x89: {  	s3 =	sld [smem:$0x3FFE];
	_ =	sdelay $0x1  }
0x8a: {  	s1 =	srdreg.scid  }
0x8b: {  	s0 =	sand.u32 $0x1, s1  }
0x8c: {  	s16 =	sshll.u32 s0, $0xA;
	s2 =	sadd.s32 s3, s2  }
0x8d: {  	s2 =	sadd.s32 s2, s16  }
0x8e: {  	[smem:$0x3FC5] =	sst s2  }
0x8f: {  	_ = 	snop  }
0x90: {  	(tm) =	ssettm $0x1  }
0x91: {  	s17 =	sld [smem:$0x3FFB];
	_ =	sdelay $0x3  }
0x92: {  	_ =	strace s17  }
0x93: {  	s2 =	sld [smem:$0x3FFC];
	_ =	sdelay $0x3  }
0x94: {  	_ =	strace s2  }
0x95: {  	s2 =	sld [smem:$0x3FFD];
	_ =	sdelay $0x3  }
0x96: {  	_ =	strace s2  }
0x97: {  	_ =	strace $0x8FFFFFFF  }
0x98: {  	s18 =	sld [smem:$0x3FDB];
	_ =	sdelay $0x1  }
0x99: {  	s19 =	simm.s32 $_scs_section_size  }
0x9a: {  	s4 =	simm.s32 $_size__tile_overlayer_lowered;
	s5 =	simm.s32 $_tile_overlayer_lowered  }
0x9b: {  	s22 =	simm.s32 $0x1BFF;
	s21 =	sshll.u32 s5, $0x1;
	s2 =	sadd.s32 s19, s18  }
0x9c: {  	s6 =	simm.s32 $0x0;
	s20 =	sshll.u32 s4, $0x1;
	s4 =	sadd.s32 s21, s2  }
0x9d: {  	[timem:s6], [sflag:s22] =	dma.local [hbm:s4], s20  }
0x9e: {  	_ =	swait.ge [sflag:s22], s20  }
0x9f: {  	s3 =	ssub.s32 $0x0, s20;
	[sflag:s22] =	ssyncset.done $0x0  }
0xa0: {  	[sflag:s22] =	ssyncadd.s32 s3;
	_ =	sdelay $0x1  }
0xa1: {  	s23 =	simm.s32 $0x1B8B  }
0xa2: {  	_ =	swait.ge [sflag:s23], $0x1  }
0xa3: {  	[sflag:s23] =	ssyncset.done $0x0  }
0xa4: {  	s25 =	simm.s32 $0x1B8E;
	s24 =	sld [smem:$0x3FFE];
	[sflag:s23] =	ssyncadd.s32 $0xFFFFFFFF  }
0xa5: {  	s26 =	simm.s32 $execute0_lowered;
	[smem:$0x3FD2] =	sst s25  }
0xa6: {  	s4 =	sshll.u32 s26, $0x1;
	_ =	strace $0x80000046;
	[dreg:$0x1] =	wrdreg $0xFFFFFFFF  }
0xa7: {  	s28 =	simm.s32 $_size_execute0_lowered;
	s2 =	sadd.s32 s2, s4;
	[dreg:$0x0] =	wrdreg $0x0  }
0xa8: {  	s4 =	sshll.u32 s28, $0x1;
	[dreg:$0x2] =	wrdreg s2  }
0xa9: {  	[dreg:$0x3] =	wrdreg s4  }
0xaa: {  	[dreg:$0x4] =	wrdreg $0xC0  }
0xab: {  	_ =	task [dreg:s6], $0x5FFFF  }
0xac: {  	[dreg:$0x1] =	wrdreg $0xFFFFFFFF  }
0xad: {  	[dreg:$0x0] =	wrdreg $0x60  }
0xae: {  	[dreg:$0x2] =	wrdreg s24  }
0xaf: {  	[dreg:$0x3] =	wrdreg $0x9  }
0xb0: {  	_ =	task.clear_ibuf [dreg:s6], $0x4FFFF;
	_ =	strace $0x90000046  }
0xb1: {  	s29 =	simm.s32 $0x9;
	_ =	strace $0x80000048  }
0xb2: {  	_ =	swait.ge [sflag:s29], $0x1  }
0xb3: {  	[sflag:s29] =	ssyncadd.s32 $0xFFFFFFFF  }
0xb4: {  	_ =	strace $0x90000048  }
0xb5: {  	_ =	sfence  }
0xb6: {  	s30 =	sld [smem:$0x0];
	_ =	sdelay $0x2  }
0xb7: {  	s31 =	sshll.u32 s1, $0xD;
	s1 =	sshrl.u32 s1, $0x2  }
0xb8: {  	s3 =	sand.u32 $0x4000, s31;
	s1 =	sadd.s32 s1, s30  }
0xb9: {  	s0 =	sor.u32 s3, s0;
	s1 =	sshll.u32 s1, $0x11  }
0xba: {  	s0 =	sor.u32 s1, s0  }
0xbb: {  	s0 =	sadd.s32 $0x8F2B, s0  }
0xbc: {  	[sflag:s0] =	ssyncadd.remote.s32 $0x1  }
0xbd: {  	_ =	sfence.sel $0xFFFF  }
0xbe: {  	[dreg:$0x0] =	wrdreg $0xFFFFFFFF;
	(pc) =	sbr.abs _section_cstart, $3  }
0xbf: {  	[dreg:$0x1] =	wrdreg $0xFFFFFFFF  }
0xc0: {  	_ =	task.clear_ibuf [dreg:s6], $0x2FFFF;
	_ =	strace $0x9FFFFFFF  }
0xc1: {  	(tm) =	ssettm $0x7FFFFFFF  }
tec
execute0_lowered:
.L_overlay_start_1:
0x0: {  	(tag) =	ssettag $0x1  }
0x1: {  	s4 =	rddreg [dreg:$0x0]  }
0x2: {  	s0 =	rddreg [dreg:$0x1];
	s2 =	simm.s32 $0x0;
	s1 =	stileid.u32  }
0x3: {  	s3 =	srdreg.scid;
	s10 =	simm.s32 $0x0;
	s6 =	smul.u32 $0xA000, s1  }
0x4: {  	[smem:$0x7FF] =	sst s2;
	s5 =	sand.u32 $0x1, s3;
	s8 =	smul.u32 $0x14000, s1  }
0x5: {  	s3 =	sadd.s32 $0x1A00, s4;
	s7 =	smul.u32 $0x5000, s5;
	s9 =	ssub.s32 $0x2, s5  }
0x6: {  	_ =	strace $0x80000047;
	s5 =	smul.u32 $0xA000, s5;
	s31 =	sshrl.u32 s9, $0x1  }
0x7: {  	s8 =	sadd.s32 s8, s4;
	s6 =	sadd.s32 s7, s6;
	s7 =	ssub.s32 s9, s31  }
0x8: {  	s5 =	sadd.s32 s5, s8;
	s8 =	simm.s32 $0x400;
	s6 =	sshrl.u32 s6, $0x3  }
0x9: {  	s9 =	simm.s32 $0x1;
	s5 =	sadd.s32 $0x1EA000, s5;
	s6 =	sadd.s32 s6, s4  }
0xa: {  	s4 =	smax.u32 s7, $0x1;
	s7 =	simm.s32 $0x2;
	s6 =	sadd.s32 $0x32A000, s6  }
.LBB2_1:
0xb: {  	s11 =	sadd.s32 $0x0, s6  }
0xc: {  	[tilespmem:s2], [sflag:$0x2] =	stream.linear.gather [hbm4b:s11+s2], $0x400, $0x38;
	[tilespmem:$0x4400] =	vst v63  }
0xd: {  	_ =	swait.ge [sflag:s7], $0x400  }
0xe: {  	[sflag:s7] =	ssyncset.done $0x0  }
0xf: {  	[sflag:s7] =	ssyncadd.s32 $0xFFFFFC00  }
0x10: {  	[tilespmem:s8], [sflag:$0x1] =	stream.indirect.gather [hbm4b:s3+s8], $0x10, s2, s8, $0xb8;
	[tilespmem:$0x4400] =	vst v63  }
0x11: {  	_ =	swait.ge [sflag:s9], $0x4000  }
0x12: {  	[sflag:s9] =	ssyncset.done $0x0  }
0x13: {  	[sflag:s9] =	ssyncadd.s32 $0xFFFFC000  }
0x14: {  	[hbm4b:s5+s2] =	stream.linear.scatter [tilespmem:s8], [sflag:$0x2], $0x4000, $0x38;
	[tilespmem:$0x4400] =	vst v63  }
0x15: {  	s12 =	simm.s32 $0x80;
	_ =	swait.ge [sflag:s7], $0x4000  }
0x16: {  	s13 =	simm.s32 $0x100;
	s11 =	sadd.s32 $0x800, s5;
	[sflag:s7] =	ssyncset.done $0x0  }
.LBB2_2:
0x17: {  	s14 =	sadd.s32 s12, s6  }
0x18: {  	[sflag:s7] =	ssyncadd.s32 $0xFFFFC000;
	s12 =	smov.u32 s13;
	s15 =	sadd.s32 $0x80, s13  }
0x19: {  	[tilespmem:s2], [sflag:$0x2] =	stream.linear.gather [hbm4b:s14+s2], $0x400, $0x38;
	[tilespmem:$0x4400] =	vst v63  }
0x1a: {  	p0 =	sne.s32 s13, $0x980;
	_ =	swait.ge [sflag:s7], $0x400  }
0x1b: {  	[sflag:s7] =	ssyncset.done $0x0  }
0x1c: {  	[sflag:s7] =	ssyncadd.s32 $0xFFFFFC00  }
0x1d: {  	[tilespmem:s8], [sflag:$0x1] =	stream.indirect.gather [hbm4b:s3+s8], $0x10, s2, s8, $0xb8;
	[tilespmem:$0x4400] =	vst v63  }
0x1e: {  	_ =	swait.ge [sflag:s9], $0x4000  }
.Ltmp0:
0x1f: {  	[sflag:s9] =	ssyncset.done $0x0;
	(pc) =	sbr.rel @p0 .LBB2_2-.Ltmp0, $4  }
0x20: {  	[sflag:s9] =	ssyncadd.s32 $0xFFFFC000  }
0x21: {  	[hbm4b:s11+s2] =	stream.linear.scatter [tilespmem:s8], [sflag:$0x2], $0x4000, $0x38;
	[tilespmem:$0x4400] =	vst v63  }
0x22: {  	_ =	swait.ge [sflag:s7], $0x4000  }
0x23: {  	s13 =	smov.u32 s15;
	s11 =	sadd.s32 $0x800, s11;
	[sflag:s7] =	ssyncset.done $0x0  }
0x24: {  	s12 =	sadd.s32 s12, s6;
	[sflag:s7] =	ssyncadd.s32 $0xFFFFC000  }
0x25: {  	[tilespmem:s2], [sflag:$0x2] =	stream.linear.gather [hbm4b:s12+s2], $0x400, $0x38;
	[tilespmem:$0x4400] =	vst v63  }
0x26: {  	_ =	swait.ge [sflag:s7], $0x400  }
0x27: {  	[sflag:s7] =	ssyncset.done $0x0  }
0x28: {  	[sflag:s7] =	ssyncadd.s32 $0xFFFFFC00  }
0x29: {  	[tilespmem:s8], [sflag:$0x1] =	stream.indirect.gather [hbm4b:s3+s8], $0x10, s2, s8, $0xb8;
	[tilespmem:$0x4400] =	vst v63  }
0x2a: {  	s10 =	sadd.s32 $0x1, s10;
	_ =	swait.ge [sflag:s9], $0x4000  }
0x2b: {  	p0 =	sne.s32 s10, s4;
	[sflag:s9] =	ssyncset.done $0x0  }
.Ltmp1:
0x2c: {  	[sflag:s9] =	ssyncadd.s32 $0xFFFFC000;
	(pc) =	sbr.rel @p0 .LBB2_1-.Ltmp1, $4  }
0x2d: {  	[hbm4b:s11+s2] =	stream.linear.scatter [tilespmem:s8], [sflag:$0x2], $0x4000, $0x38;
	[tilespmem:$0x4400] =	vst v63  }
0x2e: {  	_ =	swait.ge [sflag:s7], $0x4000  }
0x2f: {  	[sflag:s7] =	ssyncset.done $0x0  }
0x30: {  	[sflag:s7] =	ssyncadd.s32 $0xFFFFC000  }
0x31: {  	_ =	sfence.sel $0x180000  }
0x32: {  	[bflag:$0x0] =	sbarrier.arrive $0xFFFF  }
0x33: {  	p0 =	sne.s32 s1, $0x0;
	_ =	strace $0x90000047  }
0x34: {  	s0 =	sadd.s32 @!p0 $0x100000, s0;
	[bflag:$0x2] =	sbarrier.arrive $0xFFFF  }
0x35: {  	[sflag:s0] =	ssyncadd.tile.s32 @!p0 $0x1;
	_ =	shalt  }
.Lfunc_end2:
_tile_overlayer_lowered:
.L_overlay_start_2:
0x36: {  	(tag) =	ssettag $0x2  }
0x37: {  	s0 =	rddreg [dreg:$0x0];
	s2 =	stileid.u32  }
0x38: {  	s1 =	rddreg [dreg:$0x1];
	p0 =	sne.s32 s2, $0x0  }
0x39: {  	s3 =	rddreg [dreg:$0x2];
	[bflag:$0x3] =	sbarrier.arrive $0xFFFF;
	s2 =	simm.s32 @!p0 $0x1C02  }
0x3a: {  	[timem:s3], [sflag:s2] =	dma.local @!p0 [hbm:s0], s1  }
0x3b: {  	s0 =	simm.s32 @!p0 $0x2  }
0x3c: {  	_ =	swait.ge @!p0 [sflag:s0], s1  }
0x3d: {  	s1 =	ssub.s32 @!p0 $0x0, s1;
	[sflag:s0] =	ssyncset.done @!p0 $0x0  }
0x3e: {  	[sflag:s0] =	ssyncadd.s32 @!p0 s1  }
0x3f: {  	[bflag:$0x3] =	sbarrier.arrive $0xFFFF  }
0x40: {  	_ =	shalt  }

// kernel: kernel.15.cloned.1.call-start
scs
__scs_entry_jumppad:
0x0: {  	(pc) =	sbr.rel $0x88, $3  }
0x1: {  	(tag) =	ssettag $0x0;
	lr =	simm.s32 $0x1  }
0x2: {  	[smem:$0x3F9E] =	sst lr;
	_ =	strace $0xD0000000  }
0x3: {  	_ = 	snop  }
0x4: {  	_ = 	snop  }
0x5: {  	_ = 	snop  }
0x6: {  	_ = 	snop  }
0x7: {  	_ = 	snop  }
__scs_overlays_trampoline_lowered:
0x8: {  	[smem:$0x3FAD] =	sst s0  }
0x9: {  	[smem:$0x3FAE] =	sst s1  }
0xa: {  	[smem:$0x3FAF] =	sst s2  }
0xb: {  	[smem:$0x3FB0] =	sst s3  }
0xc: {  	[smem:$0x3FB1] =	sst s4  }
0xd: {  	[smem:$0x3FB2] =	sst s5  }
0xe: {  	[smem:$0x3FB3] =	sst s6  }
0xf: {  	[smem:$0x3FB4] =	sst s7  }
0x10: {  	[smem:$0x3FB5] =	sst s8  }
0x11: {  	[smem:$0x3FB6] =	sst s9;
	s0 =	simm.s32 @!p0 $0x0  }
0x12: {  	s1 =	sld [smem:$0x3F9C];
	s0 =	simm.s32 @p0 $0x1  }
0x13: {  	[smem:$0x3FB7] =	sst s0;
	s0 =	simm.s32 @!p1 $0x0  }
0x14: {  	s2 =	sld [smem:$0x3F9B];
	s0 =	simm.s32 @p1 $0x1  }
0x15: {  	[smem:$0x3FB8] =	sst s0;
	s0 =	simm.s32 @!p2 $0x0  }
0x16: {  	s3 =	sld [smem:$0x3FDB];
	s0 =	simm.s32 @p2 $0x1  }
0x17: {  	s4 =	simm.s32 $0x1BF5;
	[smem:$0x3FBA] =	sst s0  }
0x18: {  	s0 =	sld [smem:$0x3F9D];
	_ =	swait.ge [sflag:s4], $0x0  }
0x19: {  	s7 =	sld [smem:$0x3F9E]  }
0x1a: {  	s8 =	sadd.s32 $0xFFFFE003, lr  }
0x1b: {  	s9 =	sadd.s32 $0xFFFFFEF7, lr;
	s5 =	simm.s32 $0xFFFFFFFF;
	p2 =	slt.u32 s8, $0xFFFFF086  }
0x1c: {  	p1 =	slt.u32 s9, $0xF7A;
	s5 =	simm.s32 @!p2 $0x0  }
0x1d: {  	s5 =	simm.s32 @p1 $0x1;
	p0 =	seq.s32 s7, s2  }
0x1e: {  	s7 =	smul.u32 @!p0 $0xF7A, s2;
	p2 =	seq.s32 @!p0 s5, $0x0  }
0x1f: {  	s9 =	smul.u32 $0xF7A, s1;
	s8 =	simm.s32 @!p0 $0x1BF5;
	p2 =	por !p2, p0  }
0x20: {  	[sflag:s8] =	ssyncset.s32 @!p0 $0xFFFFF086;
	s6 =	sadd.s32 @!p0 s3, s7;
	s7 =	simm.s32 @!p0 $0x108  }
0x21: {  	s3 =	sadd.s32 s3, s9;
	s6 =	sadd.s32 @!p0 $0x88, s6;
	s7 =	simm.s32 @p2 $0x1082  }
0x22: {  	[simem:s7], [sflag:s8] =	dma.local @!p0 [hbm:s6], $0xF7A  }
0x23: {  	s9 =	sor.u32 $0xD0000000, s2;
	s6 =	simm.s32 $0x108;
	_ =	swait.ge @!p0 [sflag:s8], $0x0  }
0x24: {  	s3 =	sadd.s32 $0x88, s3;
	s6 =	simm.s32 @!p1 $0x1082;
	[sflag:s4] =	ssyncset.s32 $0xFFFFF086  }
0x25: {  	[simem:s6], [sflag:s4] =	dma.local [hbm:s3], $0xF7A  }
0x26: {  	[smem:$0x3F9E] =	sst s1;
	(tag) =	ssettag s2;
	_ =	strace s9  }
0x27: {  	s1 =	sld [smem:$0x3FAE]  }
0x28: {  	s2 =	sld [smem:$0x3FAF]  }
0x29: {  	s4 =	sld [smem:$0x3FB1]  }
0x2a: {  	p0 =	seq.s32 s5, $0x0;
	s5 =	sld [smem:$0x3FB2]  }
0x2b: {  	s6 =	sld [smem:$0x3FB3]  }
0x2c: {  	s7 =	sld [smem:$0x3FB4]  }
0x2d: {  	s3 =	simm.s32 $0x108;
	s8 =	sld [smem:$0x3FB5]  }
0x2e: {  	s3 =	simm.s32 @!p0 $0x1082;
	s9 =	sld [smem:$0x3FB6]  }
0x2f: {  	lr =	sadd.s32 s0, s3;
	s0 =	sld [smem:$0x3FAD]  }
0x30: {  	s3 =	sld [smem:$0x3FB0]  }
0x31: {  	[smem:$0x3FB9] =	sst s10  }
0x32: {  	s10 =	sld [smem:$0x3FB7];
	_ =	sdelay $0x3  }
0x33: {  	p0 =	seq.s32 s10, $0x1;
	s10 =	sld [smem:$0x3FB9];
	_ =	sdelay $0x3  }
0x34: {  	[smem:$0x3FB9] =	sst s10  }
0x35: {  	s10 =	sld [smem:$0x3FB8];
	_ =	sdelay $0x3  }
0x36: {  	p1 =	seq.s32 s10, $0x1;
	s10 =	sld [smem:$0x3FB9];
	_ =	sdelay $0x3  }
0x37: {  	[smem:$0x3FB9] =	sst s10  }
0x38: {  	s10 =	sld [smem:$0x3FBA]  }
0x39: {  	_ = 	snop;
	(pc) =	sbr.ind lr, $3  }
0x3a: {  	_ = 	snop  }
0x3b: {  	_ = 	snop  }
0x3c: {  	p2 =	seq.s32 s10, $0x1;
	s10 =	sld [smem:$0x3FB9]  }
0x3d: {  	_ =	shalt  }
0x3e: {  	_ =	shalt  }
0x3f: {  	_ =	shalt  }
0x40: {  	_ =	shalt  }
0x41: {  	_ =	shalt  }
0x42: {  	_ =	shalt  }
0x43: {  	_ =	shalt  }
0x44: {  	_ =	shalt  }
0x45: {  	_ =	shalt  }
0x46: {  	_ =	shalt  }
0x47: {  	_ =	shalt  }
0x48: {  	_ =	shalt  }
0x49: {  	_ =	shalt  }
0x4a: {  	_ =	shalt  }
0x4b: {  	_ =	shalt  }
0x4c: {  	_ =	shalt  }
0x4d: {  	_ =	shalt  }
0x4e: {  	_ =	shalt  }
0x4f: {  	_ =	shalt  }
0x50: {  	_ =	shalt  }
0x51: {  	_ =	shalt  }
0x52: {  	_ =	shalt  }
0x53: {  	_ =	shalt  }
0x54: {  	_ =	shalt  }
0x55: {  	_ =	shalt  }
0x56: {  	_ =	shalt  }
0x57: {  	_ =	shalt  }
0x58: {  	_ =	shalt  }
0x59: {  	_ =	shalt  }
0x5a: {  	_ =	shalt  }
0x5b: {  	_ =	shalt  }
0x5c: {  	_ =	shalt  }
0x5d: {  	_ =	shalt  }
0x5e: {  	_ =	shalt  }
0x5f: {  	_ =	shalt  }
0x60: {  	_ =	shalt  }
0x61: {  	_ =	shalt  }
0x62: {  	_ =	shalt  }
0x63: {  	_ =	shalt  }
0x64: {  	_ =	shalt  }
0x65: {  	_ =	shalt  }
0x66: {  	_ =	shalt  }
0x67: {  	_ =	shalt  }
0x68: {  	_ =	shalt  }
0x69: {  	_ =	shalt  }
0x6a: {  	_ =	shalt  }
0x6b: {  	_ =	shalt  }
0x6c: {  	_ =	shalt  }
0x6d: {  	_ =	shalt  }
0x6e: {  	_ =	shalt  }
0x6f: {  	_ =	shalt  }
0x70: {  	_ =	shalt  }
0x71: {  	_ =	shalt  }
0x72: {  	_ =	shalt  }
0x73: {  	_ =	shalt  }
0x74: {  	_ =	shalt  }
0x75: {  	_ =	shalt  }
0x76: {  	_ =	shalt  }
0x77: {  	_ =	shalt  }
0x78: {  	_ =	shalt  }
0x79: {  	_ =	shalt  }
0x7a: {  	_ =	shalt  }
0x7b: {  	_ =	shalt  }
0x7c: {  	_ =	shalt  }
0x7d: {  	_ =	shalt  }
0x7e: {  	_ =	shalt  }
0x7f: {  	_ =	shalt  }
0x80: {  	_ =	shalt  }
0x81: {  	_ =	shalt  }
0x82: {  	_ =	shalt  }
0x83: {  	_ =	shalt  }
0x84: {  	_ =	shalt  }
0x85: {  	_ =	shalt  }
0x86: {  	_ =	shalt  }
0x87: {  	_ =	shalt  }
.Lfunc_end0:
.L_simem_size_0:
called_computation.1_lowered:
.L_overlay_start_0:
0x88: {  	s2 =	sld [smem:$0x3FD9]  }
0x89: {  	s3 =	sld [smem:$0x3FFE];
	_ =	sdelay $0x1  }
0x8a: {  	s1 =	srdreg.scid  }
0x8b: {  	s0 =	sand.u32 $0x1, s1  }
0x8c: {  	s17 =	sshll.u32 s0, $0xA;
	s2 =	sadd.s32 s3, s2  }
0x8d: {  	s2 =	sadd.s32 s2, s17  }
0x8e: {  	[smem:$0x3FC5] =	sst s2  }
0x8f: {  	_ = 	snop  }
0x90: {  	(tm) =	ssettm $0x1  }
0x91: {  	s18 =	sld [smem:$0x3FFB];
	_ =	sdelay $0x3  }
0x92: {  	_ =	strace s18  }
0x93: {  	s2 =	sld [smem:$0x3FFC];
	_ =	sdelay $0x3  }
0x94: {  	_ =	strace s2  }
0x95: {  	s2 =	sld [smem:$0x3FFD];
	_ =	sdelay $0x3  }
0x96: {  	_ =	strace s2  }
0x97: {  	_ =	strace $0x8FFFFFFF  }
0x98: {  	s19 =	sld [smem:$0x3FDB];
	_ =	sdelay $0x1  }
0x99: {  	s20 =	simm.s32 $_scs_section_size  }
0x9a: {  	s4 =	simm.s32 $_size__tile_overlayer_lowered;
	s5 =	simm.s32 $_tile_overlayer_lowered  }
0x9b: {  	s6 =	simm.s32 $0x1BFF;
	s21 =	sshll.u32 s5, $0x1;
	s3 =	sadd.s32 s20, s19  }
0x9c: {  	s22 =	simm.s32 $0x0;
	s4 =	sshll.u32 s4, $0x1;
	s5 =	sadd.s32 s21, s3  }
0x9d: {  	[timem:s22], [sflag:s6] =	dma.local [hbm:s5], s4  }
0x9e: {  	_ =	swait.ge [sflag:s6], s4  }
0x9f: {  	s4 =	ssub.s32 $0x0, s4;
	[sflag:s6] =	ssyncset.done $0x0  }
0xa0: {  	[sflag:s6] =	ssyncadd.s32 s4;
	_ =	sdelay $0x1  }
0xa1: {  	s23 =	simm.s32 $0x1B8B  }
0xa2: {  	_ =	swait.ge [sflag:s23], $0x1  }
0xa3: {  	[sflag:s23] =	ssyncset.done $0x0  }
0xa4: {  	[sflag:s23] =	ssyncadd.s32 $0xFFFFFFFF  }
0xa5: {  	s4 =	sld [smem:$0x0]  }
0xa6: {  	s5 =	sand.u32 $0xFFFFFFFE, s1  }
0xa7: {  	p0 =	sne.s32 s1, s5  }
0xa8: {  	s5 =	sshll.u32 @p0 s5, $0xE  }
0xa9: {  	s5 =	sadd.s32 @p0 $0x11B8D, s5;
	s6 =	sshll.u32 @p0 s4, $0x11  }
0xaa: {  	s5 =	sor.u32 @p0 s6, s5  }
0xab: {  	[sflag:s5] =	ssyncadd.remote.s32 @p0 $0x1;
	_ =	sdelay $0x1  }
0xac: {  	s5 =	simm.s32 @p0 $0x1B8D  }
0xad: {  	_ =	swait.eq @p0 [sflag:s5], $0x1  }
0xae: {  	[sflag:s5] =	ssyncadd.s32 @p0 $0xFFFFFFFF  }
0xaf: {  	s6 =	sshll.u32 @!p0 s1, $0xE  }
0xb0: {  	s6 =	sor.u32 @!p0 $0x4000, s6;
	s5 =	simm.s32 @!p0 $0x1B8D  }
0xb1: {  	s4 =	sshll.u32 @!p0 s4, $0x11;
	s6 =	sadd.s32 @!p0 $0x11B8D, s6;
	_ =	swait.eq @!p0 [sflag:s5], $0x1  }
0xb2: {  	s4 =	sor.u32 @!p0 s4, s6;
	[sflag:s5] =	ssyncadd.s32 @!p0 $0xFFFFFFFF  }
0xb3: {  	s25 =	simm.s32 $0x1B8E;
	s24 =	sld [smem:$0x3FFE];
	[sflag:s4] =	ssyncadd.remote.s32 @!p0 $0x1  }
0xb4: {  	s26 =	simm.s32 $execute0_lowered;
	[smem:$0x3FD2] =	sst s25  }
0xb5: {  	s5 =	sshll.u32 s26, $0x1;
	_ =	strace $0x80000049;
	[dreg:$0x1] =	wrdreg $0xFFFFFFFF  }
0xb6: {  	s28 =	simm.s32 $_size_execute0_lowered;
	s3 =	sadd.s32 s3, s5;
	[dreg:$0x0] =	wrdreg $0x0  }
0xb7: {  	s5 =	sshll.u32 s28, $0x1;
	[dreg:$0x2] =	wrdreg s3  }
0xb8: {  	[dreg:$0x3] =	wrdreg s5  }
0xb9: {  	[dreg:$0x4] =	wrdreg $0xC0  }
0xba: {  	_ =	task [dreg:s22], $0x5FFFF  }
0xbb: {  	[dreg:$0x1] =	wrdreg $0xFFFFFFFF  }
0xbc: {  	[dreg:$0x0] =	wrdreg $0x60  }
0xbd: {  	[dreg:$0x2] =	wrdreg s24  }
0xbe: {  	[dreg:$0x3] =	wrdreg $0xA  }
0xbf: {  	_ =	task.clear_ibuf [dreg:s22], $0x4FFFF;
	_ =	strace $0x90000049  }
0xc0: {  	s29 =	simm.s32 $0xA;
	_ =	strace $0x8000004B  }
0xc1: {  	_ =	swait.ge [sflag:s29], $0x1  }
0xc2: {  	[sflag:s29] =	ssyncadd.s32 $0xFFFFFFFF  }
0xc3: {  	_ =	strace $0x9000004B  }
0xc4: {  	_ =	sfence  }
0xc5: {  	s30 =	sld [smem:$0x0];
	_ =	sdelay $0x2  }
0xc6: {  	s31 =	sshll.u32 s1, $0xD;
	s1 =	sshrl.u32 s1, $0x2  }
0xc7: {  	s4 =	sand.u32 $0x4000, s31;
	s1 =	sadd.s32 s1, s30  }
0xc8: {  	s0 =	sor.u32 s4, s0;
	s1 =	sshll.u32 s1, $0x11  }
0xc9: {  	s0 =	sor.u32 s1, s0  }
0xca: {  	s0 =	sadd.s32 $0x8F2B, s0  }
0xcb: {  	[sflag:s0] =	ssyncadd.remote.s32 $0x1  }
0xcc: {  	_ =	sfence.sel $0xFFFF  }
0xcd: {  	[dreg:$0x0] =	wrdreg $0xFFFFFFFF;
	(pc) =	sbr.abs _section_cstart, $3  }
0xce: {  	[dreg:$0x1] =	wrdreg $0xFFFFFFFF  }
0xcf: {  	_ =	task.clear_ibuf [dreg:s22], $0x2FFFF;
	_ =	strace $0x9FFFFFFF  }
0xd0: {  	(tm) =	ssettm $0x7FFFFFFF  }
0xd1: {  	_ =	shalt  }
tec
execute0_lowered:
.L_overlay_start_1:
0x0: {  	(tag) =	ssettag $0x1  }
0x1: {  	s4 =	rddreg [dreg:$0x0]  }
0x2: {  	s0 =	rddreg [dreg:$0x1];
	s2 =	simm.s32 $0x0;
	s1 =	stileid.u32  }
0x3: {  	s3 =	srdreg.scid;
	s10 =	simm.s32 $0x0;
	s6 =	smul.u32 $0xA000, s1  }
0x4: {  	[smem:$0x7FF] =	sst s2;
	s5 =	sand.u32 $0x1, s3;
	s8 =	smul.u32 $0x14000, s1  }
0x5: {  	s3 =	sadd.s32 $0x1A00, s4;
	s7 =	smul.u32 $0x5000, s5;
	s9 =	ssub.s32 $0x2, s5  }
0x6: {  	_ =	strace $0x8000004A;
	s5 =	smul.u32 $0xA000, s5;
	s31 =	sshrl.u32 s9, $0x1  }
0x7: {  	s8 =	sadd.s32 s8, s4;
	s6 =	sadd.s32 s7, s6;
	s7 =	ssub.s32 s9, s31  }
0x8: {  	s5 =	sadd.s32 s5, s8;
	s8 =	simm.s32 $0x400;
	s6 =	sshrl.u32 s6, $0x3  }
0x9: {  	s9 =	simm.s32 $0x1;
	s5 =	sadd.s32 $0x38E000, s5;
	s6 =	sadd.s32 s6, s4  }
0xa: {  	s4 =	smax.u32 s7, $0x1;
	s7 =	simm.s32 $0x2;
	s6 =	sadd.s32 $0x33E000, s6  }
.LBB2_1:
0xb: {  	s11 =	sadd.s32 $0x0, s6  }
0xc: {  	[tilespmem:s2], [sflag:$0x2] =	stream.linear.gather [hbm4b:s11+s2], $0x400, $0x38;
	[tilespmem:$0x4400] =	vst v63  }
0xd: {  	_ =	swait.ge [sflag:s7], $0x400  }
0xe: {  	[sflag:s7] =	ssyncset.done $0x0  }
0xf: {  	[sflag:s7] =	ssyncadd.s32 $0xFFFFFC00  }
0x10: {  	[tilespmem:s8], [sflag:$0x1] =	stream.indirect.gather [hbm4b:s3+s8], $0x10, s2, s8, $0xb8;
	[tilespmem:$0x4400] =	vst v63  }
0x11: {  	_ =	swait.ge [sflag:s9], $0x4000  }
0x12: {  	[sflag:s9] =	ssyncset.done $0x0  }
0x13: {  	[sflag:s9] =	ssyncadd.s32 $0xFFFFC000  }
0x14: {  	[hbm4b:s5+s2] =	stream.linear.scatter [tilespmem:s8], [sflag:$0x2], $0x4000, $0x38;
	[tilespmem:$0x4400] =	vst v63  }
0x15: {  	s12 =	simm.s32 $0x80;
	_ =	swait.ge [sflag:s7], $0x4000  }
0x16: {  	s13 =	simm.s32 $0x100;
	s11 =	sadd.s32 $0x800, s5;
	[sflag:s7] =	ssyncset.done $0x0  }
.LBB2_2:
0x17: {  	s14 =	sadd.s32 s12, s6  }
0x18: {  	[sflag:s7] =	ssyncadd.s32 $0xFFFFC000;
	s12 =	smov.u32 s13;
	s15 =	sadd.s32 $0x80, s13  }
0x19: {  	[tilespmem:s2], [sflag:$0x2] =	stream.linear.gather [hbm4b:s14+s2], $0x400, $0x38;
	[tilespmem:$0x4400] =	vst v63  }
0x1a: {  	p0 =	sne.s32 s13, $0x980;
	_ =	swait.ge [sflag:s7], $0x400  }
0x1b: {  	[sflag:s7] =	ssyncset.done $0x0  }
0x1c: {  	[sflag:s7] =	ssyncadd.s32 $0xFFFFFC00  }
0x1d: {  	[tilespmem:s8], [sflag:$0x1] =	stream.indirect.gather [hbm4b:s3+s8], $0x10, s2, s8, $0xb8;
	[tilespmem:$0x4400] =	vst v63  }
0x1e: {  	_ =	swait.ge [sflag:s9], $0x4000  }
.Ltmp0:
0x1f: {  	[sflag:s9] =	ssyncset.done $0x0;
	(pc) =	sbr.rel @p0 .LBB2_2-.Ltmp0, $4  }
0x20: {  	[sflag:s9] =	ssyncadd.s32 $0xFFFFC000  }
0x21: {  	[hbm4b:s11+s2] =	stream.linear.scatter [tilespmem:s8], [sflag:$0x2], $0x4000, $0x38;
	[tilespmem:$0x4400] =	vst v63  }
0x22: {  	_ =	swait.ge [sflag:s7], $0x4000  }
0x23: {  	s13 =	smov.u32 s15;
	s11 =	sadd.s32 $0x800, s11;
	[sflag:s7] =	ssyncset.done $0x0  }
0x24: {  	s12 =	sadd.s32 s12, s6;
	[sflag:s7] =	ssyncadd.s32 $0xFFFFC000  }
0x25: {  	[tilespmem:s2], [sflag:$0x2] =	stream.linear.gather [hbm4b:s12+s2], $0x400, $0x38;
	[tilespmem:$0x4400] =	vst v63  }
0x26: {  	_ =	swait.ge [sflag:s7], $0x400  }
0x27: {  	[sflag:s7] =	ssyncset.done $0x0  }
0x28: {  	[sflag:s7] =	ssyncadd.s32 $0xFFFFFC00  }
0x29: {  	[tilespmem:s8], [sflag:$0x1] =	stream.indirect.gather [hbm4b:s3+s8], $0x10, s2, s8, $0xb8;
	[tilespmem:$0x4400] =	vst v63  }
0x2a: {  	s10 =	sadd.s32 $0x1, s10;
	_ =	swait.ge [sflag:s9], $0x4000  }
0x2b: {  	p0 =	sne.s32 s10, s4;
	[sflag:s9] =	ssyncset.done $0x0  }
.Ltmp1:
0x2c: {  	[sflag:s9] =	ssyncadd.s32 $0xFFFFC000;
	(pc) =	sbr.rel @p0 .LBB2_1-.Ltmp1, $4  }
0x2d: {  	[hbm4b:s11+s2] =	stream.linear.scatter [tilespmem:s8], [sflag:$0x2], $0x4000, $0x38;
	[tilespmem:$0x4400] =	vst v63  }
0x2e: {  	_ =	swait.ge [sflag:s7], $0x4000  }
0x2f: {  	[sflag:s7] =	ssyncset.done $0x0  }
0x30: {  	[sflag:s7] =	ssyncadd.s32 $0xFFFFC000  }
0x31: {  	_ =	sfence.sel $0x180000  }
0x32: {  	[bflag:$0x0] =	sbarrier.arrive $0xFFFF  }
0x33: {  	p0 =	sne.s32 s1, $0x0;
	_ =	strace $0x9000004A  }
0x34: {  	s0 =	sadd.s32 @!p0 $0x100000, s0;
	[bflag:$0x2] =	sbarrier.arrive $0xFFFF  }
0x35: {  	[sflag:s0] =	ssyncadd.tile.s32 @!p0 $0x1;
	_ =	shalt  }
.Lfunc_end2:
_tile_overlayer_lowered:
.L_overlay_start_2:
0x36: {  	(tag) =	ssettag $0x2  }
0x37: {  	s0 =	rddreg [dreg:$0x0];
	s2 =	stileid.u32  }
0x38: {  	s1 =	rddreg [dreg:$0x1];
	p0 =	sne.s32 s2, $0x0  }
0x39: {  	s3 =	rddreg [dreg:$0x2];
	[bflag:$0x3] =	sbarrier.arrive $0xFFFF;
	s2 =	simm.s32 @!p0 $0x1C02  }
0x3a: {  	[timem:s3], [sflag:s2] =	dma.local @!p0 [hbm:s0], s1  }
0x3b: {  	s0 =	simm.s32 @!p0 $0x2  }
0x3c: {  	_ =	swait.ge @!p0 [sflag:s0], s1  }
0x3d: {  	s1 =	ssub.s32 @!p0 $0x0, s1;
	[sflag:s0] =	ssyncset.done @!p0 $0x0  }
0x3e: {  	[sflag:s0] =	ssyncadd.s32 @!p0 s1  }
0x3f: {  	[bflag:$0x3] =	sbarrier.arrive $0xFFFF  }
0x40: {  	_ =	shalt  }

// kernel: kernel.18.cloned.1.call-start
scs
__scs_entry_jumppad:
0x0: {  	(pc) =	sbr.rel $0x88, $3  }
0x1: {  	(tag) =	ssettag $0x0;
	lr =	simm.s32 $0x1  }
0x2: {  	[smem:$0x3F9E] =	sst lr;
	_ =	strace $0xD0000000  }
0x3: {  	_ = 	snop  }
0x4: {  	_ = 	snop  }
0x5: {  	_ = 	snop  }
0x6: {  	_ = 	snop  }
0x7: {  	_ = 	snop  }
__scs_overlays_trampoline_lowered:
0x8: {  	[smem:$0x3FAD] =	sst s0  }
0x9: {  	[smem:$0x3FAE] =	sst s1  }
0xa: {  	[smem:$0x3FAF] =	sst s2  }
0xb: {  	[smem:$0x3FB0] =	sst s3  }
0xc: {  	[smem:$0x3FB1] =	sst s4  }
0xd: {  	[smem:$0x3FB2] =	sst s5  }
0xe: {  	[smem:$0x3FB3] =	sst s6  }
0xf: {  	[smem:$0x3FB4] =	sst s7  }
0x10: {  	[smem:$0x3FB5] =	sst s8  }
0x11: {  	[smem:$0x3FB6] =	sst s9;
	s0 =	simm.s32 @!p0 $0x0  }
0x12: {  	s1 =	sld [smem:$0x3F9C];
	s0 =	simm.s32 @p0 $0x1  }
0x13: {  	[smem:$0x3FB7] =	sst s0;
	s0 =	simm.s32 @!p1 $0x0  }
0x14: {  	s2 =	sld [smem:$0x3F9B];
	s0 =	simm.s32 @p1 $0x1  }
0x15: {  	[smem:$0x3FB8] =	sst s0;
	s0 =	simm.s32 @!p2 $0x0  }
0x16: {  	s3 =	sld [smem:$0x3FDB];
	s0 =	simm.s32 @p2 $0x1  }
0x17: {  	s4 =	simm.s32 $0x1BF5;
	[smem:$0x3FBA] =	sst s0  }
0x18: {  	s0 =	sld [smem:$0x3F9D];
	_ =	swait.ge [sflag:s4], $0x0  }
0x19: {  	s7 =	sld [smem:$0x3F9E]  }
0x1a: {  	s8 =	sadd.s32 $0xFFFFE003, lr  }
0x1b: {  	s9 =	sadd.s32 $0xFFFFFEF7, lr;
	s5 =	simm.s32 $0xFFFFFFFF;
	p2 =	slt.u32 s8, $0xFFFFF086  }
0x1c: {  	p1 =	slt.u32 s9, $0xF7A;
	s5 =	simm.s32 @!p2 $0x0  }
0x1d: {  	s5 =	simm.s32 @p1 $0x1;
	p0 =	seq.s32 s7, s2  }
0x1e: {  	s7 =	smul.u32 @!p0 $0xF7A, s2;
	p2 =	seq.s32 @!p0 s5, $0x0  }
0x1f: {  	s9 =	smul.u32 $0xF7A, s1;
	s8 =	simm.s32 @!p0 $0x1BF5;
	p2 =	por !p2, p0  }
0x20: {  	[sflag:s8] =	ssyncset.s32 @!p0 $0xFFFFF086;
	s6 =	sadd.s32 @!p0 s3, s7;
	s7 =	simm.s32 @!p0 $0x108  }
0x21: {  	s3 =	sadd.s32 s3, s9;
	s6 =	sadd.s32 @!p0 $0x88, s6;
	s7 =	simm.s32 @p2 $0x1082  }
0x22: {  	[simem:s7], [sflag:s8] =	dma.local @!p0 [hbm:s6], $0xF7A  }
0x23: {  	s9 =	sor.u32 $0xD0000000, s2;
	s6 =	simm.s32 $0x108;
	_ =	swait.ge @!p0 [sflag:s8], $0x0  }
0x24: {  	s3 =	sadd.s32 $0x88, s3;
	s6 =	simm.s32 @!p1 $0x1082;
	[sflag:s4] =	ssyncset.s32 $0xFFFFF086  }
0x25: {  	[simem:s6], [sflag:s4] =	dma.local [hbm:s3], $0xF7A  }
0x26: {  	[smem:$0x3F9E] =	sst s1;
	(tag) =	ssettag s2;
	_ =	strace s9  }
0x27: {  	s1 =	sld [smem:$0x3FAE]  }
0x28: {  	s2 =	sld [smem:$0x3FAF]  }
0x29: {  	s4 =	sld [smem:$0x3FB1]  }
0x2a: {  	p0 =	seq.s32 s5, $0x0;
	s5 =	sld [smem:$0x3FB2]  }
0x2b: {  	s6 =	sld [smem:$0x3FB3]  }
0x2c: {  	s7 =	sld [smem:$0x3FB4]  }
0x2d: {  	s3 =	simm.s32 $0x108;
	s8 =	sld [smem:$0x3FB5]  }
0x2e: {  	s3 =	simm.s32 @!p0 $0x1082;
	s9 =	sld [smem:$0x3FB6]  }
0x2f: {  	lr =	sadd.s32 s0, s3;
	s0 =	sld [smem:$0x3FAD]  }
0x30: {  	s3 =	sld [smem:$0x3FB0]  }
0x31: {  	[smem:$0x3FB9] =	sst s10  }
0x32: {  	s10 =	sld [smem:$0x3FB7];
	_ =	sdelay $0x3  }
0x33: {  	p0 =	seq.s32 s10, $0x1;
	s10 =	sld [smem:$0x3FB9];
	_ =	sdelay $0x3  }
0x34: {  	[smem:$0x3FB9] =	sst s10  }
0x35: {  	s10 =	sld [smem:$0x3FB8];
	_ =	sdelay $0x3  }
0x36: {  	p1 =	seq.s32 s10, $0x1;
	s10 =	sld [smem:$0x3FB9];
	_ =	sdelay $0x3  }
0x37: {  	[smem:$0x3FB9] =	sst s10  }
0x38: {  	s10 =	sld [smem:$0x3FBA]  }
0x39: {  	_ = 	snop;
	(pc) =	sbr.ind lr, $3  }
0x3a: {  	_ = 	snop  }
0x3b: {  	_ = 	snop  }
0x3c: {  	p2 =	seq.s32 s10, $0x1;
	s10 =	sld [smem:$0x3FB9]  }
0x3d: {  	_ =	shalt  }
0x3e: {  	_ =	shalt  }
0x3f: {  	_ =	shalt  }
0x40: {  	_ =	shalt  }
0x41: {  	_ =	shalt  }
0x42: {  	_ =	shalt  }
0x43: {  	_ =	shalt  }
0x44: {  	_ =	shalt  }
0x45: {  	_ =	shalt  }
0x46: {  	_ =	shalt  }
0x47: {  	_ =	shalt  }
0x48: {  	_ =	shalt  }
0x49: {  	_ =	shalt  }
0x4a: {  	_ =	shalt  }
0x4b: {  	_ =	shalt  }
0x4c: {  	_ =	shalt  }
0x4d: {  	_ =	shalt  }
0x4e: {  	_ =	shalt  }
0x4f: {  	_ =	shalt  }
0x50: {  	_ =	shalt  }
0x51: {  	_ =	shalt  }
0x52: {  	_ =	shalt  }
0x53: {  	_ =	shalt  }
0x54: {  	_ =	shalt  }
0x55: {  	_ =	shalt  }
0x56: {  	_ =	shalt  }
0x57: {  	_ =	shalt  }
0x58: {  	_ =	shalt  }
0x59: {  	_ =	shalt  }
0x5a: {  	_ =	shalt  }
0x5b: {  	_ =	shalt  }
0x5c: {  	_ =	shalt  }
0x5d: {  	_ =	shalt  }
0x5e: {  	_ =	shalt  }
0x5f: {  	_ =	shalt  }
0x60: {  	_ =	shalt  }
0x61: {  	_ =	shalt  }
0x62: {  	_ =	shalt  }
0x63: {  	_ =	shalt  }
0x64: {  	_ =	shalt  }
0x65: {  	_ =	shalt  }
0x66: {  	_ =	shalt  }
0x67: {  	_ =	shalt  }
0x68: {  	_ =	shalt  }
0x69: {  	_ =	shalt  }
0x6a: {  	_ =	shalt  }
0x6b: {  	_ =	shalt  }
0x6c: {  	_ =	shalt  }
0x6d: {  	_ =	shalt  }
0x6e: {  	_ =	shalt  }
0x6f: {  	_ =	shalt  }
0x70: {  	_ =	shalt  }
0x71: {  	_ =	shalt  }
0x72: {  	_ =	shalt  }
0x73: {  	_ =	shalt  }
0x74: {  	_ =	shalt  }
0x75: {  	_ =	shalt  }
0x76: {  	_ =	shalt  }
0x77: {  	_ =	shalt  }
0x78: {  	_ =	shalt  }
0x79: {  	_ =	shalt  }
0x7a: {  	_ =	shalt  }
0x7b: {  	_ =	shalt  }
0x7c: {  	_ =	shalt  }
0x7d: {  	_ =	shalt  }
0x7e: {  	_ =	shalt  }
0x7f: {  	_ =	shalt  }
0x80: {  	_ =	shalt  }
0x81: {  	_ =	shalt  }
0x82: {  	_ =	shalt  }
0x83: {  	_ =	shalt  }
0x84: {  	_ =	shalt  }
0x85: {  	_ =	shalt  }
0x86: {  	_ =	shalt  }
0x87: {  	_ =	shalt  }
.Lfunc_end0:
.L_simem_size_0:
called_computation.2_lowered:
.L_overlay_start_0:
0x88: {  	s2 =	sld [smem:$0x3FD9]  }
0x89: {  	s3 =	sld [smem:$0x3FFE];
	_ =	sdelay $0x1  }
0x8a: {  	s1 =	srdreg.scid  }
0x8b: {  	s0 =	sand.u32 $0x1, s1  }
0x8c: {  	s17 =	sshll.u32 s0, $0xA;
	s2 =	sadd.s32 s3, s2  }
0x8d: {  	s2 =	sadd.s32 s2, s17  }
0x8e: {  	[smem:$0x3FC5] =	sst s2  }
0x8f: {  	_ = 	snop  }
0x90: {  	(tm) =	ssettm $0x1  }
0x91: {  	s18 =	sld [smem:$0x3FFB];
	_ =	sdelay $0x3  }
0x92: {  	_ =	strace s18  }
0x93: {  	s2 =	sld [smem:$0x3FFC];
	_ =	sdelay $0x3  }
0x94: {  	_ =	strace s2  }
0x95: {  	s2 =	sld [smem:$0x3FFD];
	_ =	sdelay $0x3  }
0x96: {  	_ =	strace s2  }
0x97: {  	_ =	strace $0x8FFFFFFF  }
0x98: {  	s19 =	sld [smem:$0x3FDB];
	_ =	sdelay $0x1  }
0x99: {  	s20 =	simm.s32 $_scs_section_size  }
0x9a: {  	s4 =	simm.s32 $_size__tile_overlayer_lowered;
	s5 =	simm.s32 $_tile_overlayer_lowered  }
0x9b: {  	s6 =	simm.s32 $0x1BFF;
	s21 =	sshll.u32 s5, $0x1;
	s3 =	sadd.s32 s20, s19  }
0x9c: {  	s22 =	simm.s32 $0x0;
	s4 =	sshll.u32 s4, $0x1;
	s5 =	sadd.s32 s21, s3  }
0x9d: {  	[timem:s22], [sflag:s6] =	dma.local [hbm:s5], s4  }
0x9e: {  	_ =	swait.ge [sflag:s6], s4  }
0x9f: {  	s4 =	ssub.s32 $0x0, s4;
	[sflag:s6] =	ssyncset.done $0x0  }
0xa0: {  	[sflag:s6] =	ssyncadd.s32 s4;
	_ =	sdelay $0x1  }
0xa1: {  	s23 =	simm.s32 $0x1B8B  }
0xa2: {  	_ =	swait.ge [sflag:s23], $0x1  }
0xa3: {  	[sflag:s23] =	ssyncset.done $0x0  }
0xa4: {  	[sflag:s23] =	ssyncadd.s32 $0xFFFFFFFF  }
0xa5: {  	s4 =	sld [smem:$0x0]  }
0xa6: {  	s5 =	sand.u32 $0xFFFFFFFE, s1  }
0xa7: {  	p0 =	sne.s32 s1, s5  }
0xa8: {  	s5 =	sshll.u32 @p0 s5, $0xE  }
0xa9: {  	s5 =	sadd.s32 @p0 $0x11B8D, s5;
	s6 =	sshll.u32 @p0 s4, $0x11  }
0xaa: {  	s5 =	sor.u32 @p0 s6, s5  }
0xab: {  	[sflag:s5] =	ssyncadd.remote.s32 @p0 $0x1;
	_ =	sdelay $0x1  }
0xac: {  	s5 =	simm.s32 @p0 $0x1B8D  }
0xad: {  	_ =	swait.eq @p0 [sflag:s5], $0x1  }
0xae: {  	[sflag:s5] =	ssyncadd.s32 @p0 $0xFFFFFFFF  }
0xaf: {  	s6 =	sshll.u32 @!p0 s1, $0xE  }
0xb0: {  	s6 =	sor.u32 @!p0 $0x4000, s6;
	s5 =	simm.s32 @!p0 $0x1B8D  }
0xb1: {  	s4 =	sshll.u32 @!p0 s4, $0x11;
	s6 =	sadd.s32 @!p0 $0x11B8D, s6;
	_ =	swait.eq @!p0 [sflag:s5], $0x1  }
0xb2: {  	s4 =	sor.u32 @!p0 s4, s6;
	[sflag:s5] =	ssyncadd.s32 @!p0 $0xFFFFFFFF  }
0xb3: {  	s25 =	simm.s32 $0x1B8E;
	s24 =	sld [smem:$0x3FFE];
	[sflag:s4] =	ssyncadd.remote.s32 @!p0 $0x1  }
0xb4: {  	s26 =	simm.s32 $execute0_lowered;
	[smem:$0x3FD2] =	sst s25  }
0xb5: {  	s5 =	sshll.u32 s26, $0x1;
	_ =	strace $0x8000004C;
	[dreg:$0x1] =	wrdreg $0xFFFFFFFF  }
0xb6: {  	s28 =	simm.s32 $_size_execute0_lowered;
	s3 =	sadd.s32 s3, s5;
	[dreg:$0x0] =	wrdreg $0x0  }
0xb7: {  	s5 =	sshll.u32 s28, $0x1;
	[dreg:$0x2] =	wrdreg s3  }
0xb8: {  	[dreg:$0x3] =	wrdreg s5  }
0xb9: {  	[dreg:$0x4] =	wrdreg $0xC0  }
0xba: {  	_ =	task [dreg:s22], $0x5FFFF  }
0xbb: {  	[dreg:$0x1] =	wrdreg $0xFFFFFFFF  }
0xbc: {  	[dreg:$0x0] =	wrdreg $0x60  }
0xbd: {  	[dreg:$0x2] =	wrdreg s24  }
0xbe: {  	[dreg:$0x3] =	wrdreg $0xB  }
0xbf: {  	_ =	task.clear_ibuf [dreg:s22], $0x4FFFF;
	_ =	strace $0x9000004C  }
0xc0: {  	s29 =	simm.s32 $0xB;
	_ =	strace $0x8000004E  }
0xc1: {  	_ =	swait.ge [sflag:s29], $0x1  }
0xc2: {  	[sflag:s29] =	ssyncadd.s32 $0xFFFFFFFF  }
0xc3: {  	_ =	strace $0x9000004E  }
0xc4: {  	_ =	sfence  }
0xc5: {  	s30 =	sld [smem:$0x0];
	_ =	sdelay $0x2  }
0xc6: {  	s31 =	sshll.u32 s1, $0xD;
	s1 =	sshrl.u32 s1, $0x2  }
0xc7: {  	s4 =	sand.u32 $0x4000, s31;
	s1 =	sadd.s32 s1, s30  }
0xc8: {  	s0 =	sor.u32 s4, s0;
	s1 =	sshll.u32 s1, $0x11  }
0xc9: {  	s0 =	sor.u32 s1, s0  }
0xca: {  	s0 =	sadd.s32 $0x8F2B, s0  }
0xcb: {  	[sflag:s0] =	ssyncadd.remote.s32 $0x1  }
0xcc: {  	_ =	sfence.sel $0xFFFF  }
0xcd: {  	[dreg:$0x0] =	wrdreg $0xFFFFFFFF;
	(pc) =	sbr.abs _section_cstart, $3  }
0xce: {  	[dreg:$0x1] =	wrdreg $0xFFFFFFFF  }
0xcf: {  	_ =	task.clear_ibuf [dreg:s22], $0x2FFFF;
	_ =	strace $0x9FFFFFFF  }
0xd0: {  	(tm) =	ssettm $0x7FFFFFFF  }
0xd1: {  	_ =	shalt  }
tec
execute0_lowered:
.L_overlay_start_1:
0x0: {  	(tag) =	ssettag $0x1  }
0x1: {  	s4 =	rddreg [dreg:$0x0]  }
0x2: {  	s0 =	rddreg [dreg:$0x1];
	s2 =	simm.s32 $0x0;
	s1 =	stileid.u32  }
0x3: {  	s3 =	srdreg.scid;
	s10 =	simm.s32 $0x0;
	s6 =	smul.u32 $0xA000, s1  }
0x4: {  	[smem:$0x7FF] =	sst s2;
	s5 =	sand.u32 $0x1, s3;
	s8 =	smul.u32 $0x14000, s1  }
0x5: {  	s3 =	sadd.s32 $0x1A00, s4;
	s7 =	smul.u32 $0x5000, s5;
	s9 =	ssub.s32 $0x2, s5  }
0x6: {  	_ =	strace $0x8000004D;
	s5 =	smul.u32 $0xA000, s5;
	s31 =	sshrl.u32 s9, $0x1  }
0x7: {  	s8 =	sadd.s32 s8, s4;
	s6 =	sadd.s32 s7, s6;
	s7 =	ssub.s32 s9, s31  }
0x8: {  	s5 =	sadd.s32 s5, s8;
	s8 =	simm.s32 $0x400;
	s6 =	sshrl.u32 s6, $0x3  }
0x9: {  	s9 =	simm.s32 $0x1;
	s5 =	sadd.s32 $0x4CE000, s5;
	s6 =	sadd.s32 s6, s4  }
0xa: {  	s4 =	smax.u32 s7, $0x1;
	s7 =	simm.s32 $0x2;
	s6 =	sadd.s32 $0x352000, s6  }
.LBB2_1:
0xb: {  	s11 =	sadd.s32 $0x0, s6  }
0xc: {  	[tilespmem:s2], [sflag:$0x2] =	stream.linear.gather [hbm4b:s11+s2], $0x400, $0x38;
	[tilespmem:$0x4400] =	vst v63  }
0xd: {  	_ =	swait.ge [sflag:s7], $0x400  }
0xe: {  	[sflag:s7] =	ssyncset.done $0x0  }
0xf: {  	[sflag:s7] =	ssyncadd.s32 $0xFFFFFC00  }
0x10: {  	[tilespmem:s8], [sflag:$0x1] =	stream.indirect.gather [hbm4b:s3+s8], $0x10, s2, s8, $0xb8;
	[tilespmem:$0x4400] =	vst v63  }
0x11: {  	_ =	swait.ge [sflag:s9], $0x4000  }
0x12: {  	[sflag:s9] =	ssyncset.done $0x0  }
0x13: {  	[sflag:s9] =	ssyncadd.s32 $0xFFFFC000  }
0x14: {  	[hbm4b:s5+s2] =	stream.linear.scatter [tilespmem:s8], [sflag:$0x2], $0x4000, $0x38;
	[tilespmem:$0x4400] =	vst v63  }
0x15: {  	s12 =	simm.s32 $0x80;
	_ =	swait.ge [sflag:s7], $0x4000  }
0x16: {  	s13 =	simm.s32 $0x100;
	s11 =	sadd.s32 $0x800, s5;
	[sflag:s7] =	ssyncset.done $0x0  }
.LBB2_2:
0x17: {  	s14 =	sadd.s32 s12, s6  }
0x18: {  	[sflag:s7] =	ssyncadd.s32 $0xFFFFC000;
	s12 =	smov.u32 s13;
	s15 =	sadd.s32 $0x80, s13  }
0x19: {  	[tilespmem:s2], [sflag:$0x2] =	stream.linear.gather [hbm4b:s14+s2], $0x400, $0x38;
	[tilespmem:$0x4400] =	vst v63  }
0x1a: {  	p0 =	sne.s32 s13, $0x980;
	_ =	swait.ge [sflag:s7], $0x400  }
0x1b: {  	[sflag:s7] =	ssyncset.done $0x0  }
0x1c: {  	[sflag:s7] =	ssyncadd.s32 $0xFFFFFC00  }
0x1d: {  	[tilespmem:s8], [sflag:$0x1] =	stream.indirect.gather [hbm4b:s3+s8], $0x10, s2, s8, $0xb8;
	[tilespmem:$0x4400] =	vst v63  }
0x1e: {  	_ =	swait.ge [sflag:s9], $0x4000  }
.Ltmp0:
0x1f: {  	[sflag:s9] =	ssyncset.done $0x0;
	(pc) =	sbr.rel @p0 .LBB2_2-.Ltmp0, $4  }
0x20: {  	[sflag:s9] =	ssyncadd.s32 $0xFFFFC000  }
0x21: {  	[hbm4b:s11+s2] =	stream.linear.scatter [tilespmem:s8], [sflag:$0x2], $0x4000, $0x38;
	[tilespmem:$0x4400] =	vst v63  }
0x22: {  	_ =	swait.ge [sflag:s7], $0x4000  }
0x23: {  	s13 =	smov.u32 s15;
	s11 =	sadd.s32 $0x800, s11;
	[sflag:s7] =	ssyncset.done $0x0  }
0x24: {  	s12 =	sadd.s32 s12, s6;
	[sflag:s7] =	ssyncadd.s32 $0xFFFFC000  }
0x25: {  	[tilespmem:s2], [sflag:$0x2] =	stream.linear.gather [hbm4b:s12+s2], $0x400, $0x38;
	[tilespmem:$0x4400] =	vst v63  }
0x26: {  	_ =	swait.ge [sflag:s7], $0x400  }
0x27: {  	[sflag:s7] =	ssyncset.done $0x0  }
0x28: {  	[sflag:s7] =	ssyncadd.s32 $0xFFFFFC00  }
0x29: {  	[tilespmem:s8], [sflag:$0x1] =	stream.indirect.gather [hbm4b:s3+s8], $0x10, s2, s8, $0xb8;
	[tilespmem:$0x4400] =	vst v63  }
0x2a: {  	s10 =	sadd.s32 $0x1, s10;
	_ =	swait.ge [sflag:s9], $0x4000  }
0x2b: {  	p0 =	sne.s32 s10, s4;
	[sflag:s9] =	ssyncset.done $0x0  }
.Ltmp1:
0x2c: {  	[sflag:s9] =	ssyncadd.s32 $0xFFFFC000;
	(pc) =	sbr.rel @p0 .LBB2_1-.Ltmp1, $4  }
0x2d: {  	[hbm4b:s11+s2] =	stream.linear.scatter [tilespmem:s8], [sflag:$0x2], $0x4000, $0x38;
	[tilespmem:$0x4400] =	vst v63  }
0x2e: {  	_ =	swait.ge [sflag:s7], $0x4000  }
0x2f: {  	[sflag:s7] =	ssyncset.done $0x0  }
0x30: {  	[sflag:s7] =	ssyncadd.s32 $0xFFFFC000  }
0x31: {  	_ =	sfence.sel $0x180000  }
0x32: {  	[bflag:$0x0] =	sbarrier.arrive $0xFFFF  }
0x33: {  	p0 =	sne.s32 s1, $0x0;
	_ =	strace $0x9000004D  }
0x34: {  	s0 =	sadd.s32 @!p0 $0x100000, s0;
	[bflag:$0x2] =	sbarrier.arrive $0xFFFF  }
0x35: {  	[sflag:s0] =	ssyncadd.tile.s32 @!p0 $0x1;
	_ =	shalt  }
.Lfunc_end2:
_tile_overlayer_lowered:
.L_overlay_start_2:
0x36: {  	(tag) =	ssettag $0x2  }
0x37: {  	s0 =	rddreg [dreg:$0x0];
	s2 =	stileid.u32  }
0x38: {  	s1 =	rddreg [dreg:$0x1];
	p0 =	sne.s32 s2, $0x0  }
0x39: {  	s3 =	rddreg [dreg:$0x2];
	[bflag:$0x3] =	sbarrier.arrive $0xFFFF;
	s2 =	simm.s32 @!p0 $0x1C02  }
0x3a: {  	[timem:s3], [sflag:s2] =	dma.local @!p0 [hbm:s0], s1  }
0x3b: {  	s0 =	simm.s32 @!p0 $0x2  }
0x3c: {  	_ =	swait.ge @!p0 [sflag:s0], s1  }
0x3d: {  	s1 =	ssub.s32 @!p0 $0x0, s1;
	[sflag:s0] =	ssyncset.done @!p0 $0x0  }
0x3e: {  	[sflag:s0] =	ssyncadd.s32 @!p0 s1  }
0x3f: {  	[bflag:$0x3] =	sbarrier.arrive $0xFFFF  }
0x40: {  	_ =	shalt  }

// kernel: kernel.21.cloned.1.call-start
scs
__scs_entry_jumppad:
0x0: {  	(pc) =	sbr.rel $0x88, $3  }
0x1: {  	(tag) =	ssettag $0x0;
	lr =	simm.s32 $0x1  }
0x2: {  	[smem:$0x3F9E] =	sst lr;
	_ =	strace $0xD0000000  }
0x3: {  	_ = 	snop  }
0x4: {  	_ = 	snop  }
0x5: {  	_ = 	snop  }
0x6: {  	_ = 	snop  }
0x7: {  	_ = 	snop  }
__scs_overlays_trampoline_lowered:
0x8: {  	[smem:$0x3FAD] =	sst s0  }
0x9: {  	[smem:$0x3FAE] =	sst s1  }
0xa: {  	[smem:$0x3FAF] =	sst s2  }
0xb: {  	[smem:$0x3FB0] =	sst s3  }
0xc: {  	[smem:$0x3FB1] =	sst s4  }
0xd: {  	[smem:$0x3FB2] =	sst s5  }
0xe: {  	[smem:$0x3FB3] =	sst s6  }
0xf: {  	[smem:$0x3FB4] =	sst s7  }
0x10: {  	[smem:$0x3FB5] =	sst s8  }
0x11: {  	[smem:$0x3FB6] =	sst s9;
	s0 =	simm.s32 @!p0 $0x0  }
0x12: {  	s1 =	sld [smem:$0x3F9C];
	s0 =	simm.s32 @p0 $0x1  }
0x13: {  	[smem:$0x3FB7] =	sst s0;
	s0 =	simm.s32 @!p1 $0x0  }
0x14: {  	s2 =	sld [smem:$0x3F9B];
	s0 =	simm.s32 @p1 $0x1  }
0x15: {  	[smem:$0x3FB8] =	sst s0;
	s0 =	simm.s32 @!p2 $0x0  }
0x16: {  	s3 =	sld [smem:$0x3FDB];
	s0 =	simm.s32 @p2 $0x1  }
0x17: {  	s4 =	simm.s32 $0x1BF5;
	[smem:$0x3FBA] =	sst s0  }
0x18: {  	s0 =	sld [smem:$0x3F9D];
	_ =	swait.ge [sflag:s4], $0x0  }
0x19: {  	s7 =	sld [smem:$0x3F9E]  }
0x1a: {  	s8 =	sadd.s32 $0xFFFFE003, lr  }
0x1b: {  	s9 =	sadd.s32 $0xFFFFFEF7, lr;
	s5 =	simm.s32 $0xFFFFFFFF;
	p2 =	slt.u32 s8, $0xFFFFF086  }
0x1c: {  	p1 =	slt.u32 s9, $0xF7A;
	s5 =	simm.s32 @!p2 $0x0  }
0x1d: {  	s5 =	simm.s32 @p1 $0x1;
	p0 =	seq.s32 s7, s2  }
0x1e: {  	s7 =	smul.u32 @!p0 $0xF7A, s2;
	p2 =	seq.s32 @!p0 s5, $0x0  }
0x1f: {  	s9 =	smul.u32 $0xF7A, s1;
	s8 =	simm.s32 @!p0 $0x1BF5;
	p2 =	por !p2, p0  }
0x20: {  	[sflag:s8] =	ssyncset.s32 @!p0 $0xFFFFF086;
	s6 =	sadd.s32 @!p0 s3, s7;
	s7 =	simm.s32 @!p0 $0x108  }
0x21: {  	s3 =	sadd.s32 s3, s9;
	s6 =	sadd.s32 @!p0 $0x88, s6;
	s7 =	simm.s32 @p2 $0x1082  }
0x22: {  	[simem:s7], [sflag:s8] =	dma.local @!p0 [hbm:s6], $0xF7A  }
0x23: {  	s9 =	sor.u32 $0xD0000000, s2;
	s6 =	simm.s32 $0x108;
	_ =	swait.ge @!p0 [sflag:s8], $0x0  }
0x24: {  	s3 =	sadd.s32 $0x88, s3;
	s6 =	simm.s32 @!p1 $0x1082;
	[sflag:s4] =	ssyncset.s32 $0xFFFFF086  }
0x25: {  	[simem:s6], [sflag:s4] =	dma.local [hbm:s3], $0xF7A  }
0x26: {  	[smem:$0x3F9E] =	sst s1;
	(tag) =	ssettag s2;
	_ =	strace s9  }
0x27: {  	s1 =	sld [smem:$0x3FAE]  }
0x28: {  	s2 =	sld [smem:$0x3FAF]  }
0x29: {  	s4 =	sld [smem:$0x3FB1]  }
0x2a: {  	p0 =	seq.s32 s5, $0x0;
	s5 =	sld [smem:$0x3FB2]  }
0x2b: {  	s6 =	sld [smem:$0x3FB3]  }
0x2c: {  	s7 =	sld [smem:$0x3FB4]  }
0x2d: {  	s3 =	simm.s32 $0x108;
	s8 =	sld [smem:$0x3FB5]  }
0x2e: {  	s3 =	simm.s32 @!p0 $0x1082;
	s9 =	sld [smem:$0x3FB6]  }
0x2f: {  	lr =	sadd.s32 s0, s3;
	s0 =	sld [smem:$0x3FAD]  }
0x30: {  	s3 =	sld [smem:$0x3FB0]  }
0x31: {  	[smem:$0x3FB9] =	sst s10  }
0x32: {  	s10 =	sld [smem:$0x3FB7];
	_ =	sdelay $0x3  }
0x33: {  	p0 =	seq.s32 s10, $0x1;
	s10 =	sld [smem:$0x3FB9];
	_ =	sdelay $0x3  }
0x34: {  	[smem:$0x3FB9] =	sst s10  }
0x35: {  	s10 =	sld [smem:$0x3FB8];
	_ =	sdelay $0x3  }
0x36: {  	p1 =	seq.s32 s10, $0x1;
	s10 =	sld [smem:$0x3FB9];
	_ =	sdelay $0x3  }
0x37: {  	[smem:$0x3FB9] =	sst s10  }
0x38: {  	s10 =	sld [smem:$0x3FBA]  }
0x39: {  	_ = 	snop;
	(pc) =	sbr.ind lr, $3  }
0x3a: {  	_ = 	snop  }
0x3b: {  	_ = 	snop  }
0x3c: {  	p2 =	seq.s32 s10, $0x1;
	s10 =	sld [smem:$0x3FB9]  }
0x3d: {  	_ =	shalt  }
0x3e: {  	_ =	shalt  }
0x3f: {  	_ =	shalt  }
0x40: {  	_ =	shalt  }
0x41: {  	_ =	shalt  }
0x42: {  	_ =	shalt  }
0x43: {  	_ =	shalt  }
0x44: {  	_ =	shalt  }
0x45: {  	_ =	shalt  }
0x46: {  	_ =	shalt  }
0x47: {  	_ =	shalt  }
0x48: {  	_ =	shalt  }
0x49: {  	_ =	shalt  }
0x4a: {  	_ =	shalt  }
0x4b: {  	_ =	shalt  }
0x4c: {  	_ =	shalt  }
0x4d: {  	_ =	shalt  }
0x4e: {  	_ =	shalt  }
0x4f: {  	_ =	shalt  }
0x50: {  	_ =	shalt  }
0x51: {  	_ =	shalt  }
0x52: {  	_ =	shalt  }
0x53: {  	_ =	shalt  }
0x54: {  	_ =	shalt  }
0x55: {  	_ =	shalt  }
0x56: {  	_ =	shalt  }
0x57: {  	_ =	shalt  }
0x58: {  	_ =	shalt  }
0x59: {  	_ =	shalt  }
0x5a: {  	_ =	shalt  }
0x5b: {  	_ =	shalt  }
0x5c: {  	_ =	shalt  }
0x5d: {  	_ =	shalt  }
0x5e: {  	_ =	shalt  }
0x5f: {  	_ =	shalt  }
0x60: {  	_ =	shalt  }
0x61: {  	_ =	shalt  }
0x62: {  	_ =	shalt  }
0x63: {  	_ =	shalt  }
0x64: {  	_ =	shalt  }
0x65: {  	_ =	shalt  }
0x66: {  	_ =	shalt  }
0x67: {  	_ =	shalt  }
0x68: {  	_ =	shalt  }
0x69: {  	_ =	shalt  }
0x6a: {  	_ =	shalt  }
0x6b: {  	_ =	shalt  }
0x6c: {  	_ =	shalt  }
0x6d: {  	_ =	shalt  }
0x6e: {  	_ =	shalt  }
0x6f: {  	_ =	shalt  }
0x70: {  	_ =	shalt  }
0x71: {  	_ =	shalt  }
0x72: {  	_ =	shalt  }
0x73: {  	_ =	shalt  }
0x74: {  	_ =	shalt  }
0x75: {  	_ =	shalt  }
0x76: {  	_ =	shalt  }
0x77: {  	_ =	shalt  }
0x78: {  	_ =	shalt  }
0x79: {  	_ =	shalt  }
0x7a: {  	_ =	shalt  }
0x7b: {  	_ =	shalt  }
0x7c: {  	_ =	shalt  }
0x7d: {  	_ =	shalt  }
0x7e: {  	_ =	shalt  }
0x7f: {  	_ =	shalt  }
0x80: {  	_ =	shalt  }
0x81: {  	_ =	shalt  }
0x82: {  	_ =	shalt  }
0x83: {  	_ =	shalt  }
0x84: {  	_ =	shalt  }
0x85: {  	_ =	shalt  }
0x86: {  	_ =	shalt  }
0x87: {  	_ =	shalt  }
.Lfunc_end0:
.L_simem_size_0:
called_computation.3_lowered:
.L_overlay_start_0:
0x88: {  	s2 =	sld [smem:$0x3FD9]  }
0x89: {  	s3 =	sld [smem:$0x3FFE];
	_ =	sdelay $0x1  }
0x8a: {  	s1 =	srdreg.scid  }
0x8b: {  	s0 =	sand.u32 $0x1, s1  }
0x8c: {  	s17 =	sshll.u32 s0, $0xA;
	s2 =	sadd.s32 s3, s2  }
0x8d: {  	s2 =	sadd.s32 s2, s17  }
0x8e: {  	[smem:$0x3FC5] =	sst s2  }
0x8f: {  	_ = 	snop  }
0x90: {  	(tm) =	ssettm $0x1  }
0x91: {  	s18 =	sld [smem:$0x3FFB];
	_ =	sdelay $0x3  }
0x92: {  	_ =	strace s18  }
0x93: {  	s2 =	sld [smem:$0x3FFC];
	_ =	sdelay $0x3  }
0x94: {  	_ =	strace s2  }
0x95: {  	s2 =	sld [smem:$0x3FFD];
	_ =	sdelay $0x3  }
0x96: {  	_ =	strace s2  }
0x97: {  	_ =	strace $0x8FFFFFFF  }
0x98: {  	s19 =	sld [smem:$0x3FDB];
	_ =	sdelay $0x1  }
0x99: {  	s20 =	simm.s32 $_scs_section_size  }
0x9a: {  	s4 =	simm.s32 $_size__tile_overlayer_lowered;
	s5 =	simm.s32 $_tile_overlayer_lowered  }
0x9b: {  	s6 =	simm.s32 $0x1BFF;
	s21 =	sshll.u32 s5, $0x1;
	s3 =	sadd.s32 s20, s19  }
0x9c: {  	s22 =	simm.s32 $0x0;
	s4 =	sshll.u32 s4, $0x1;
	s5 =	sadd.s32 s21, s3  }
0x9d: {  	[timem:s22], [sflag:s6] =	dma.local [hbm:s5], s4  }
0x9e: {  	_ =	swait.ge [sflag:s6], s4  }
0x9f: {  	s4 =	ssub.s32 $0x0, s4;
	[sflag:s6] =	ssyncset.done $0x0  }
0xa0: {  	[sflag:s6] =	ssyncadd.s32 s4;
	_ =	sdelay $0x1  }
0xa1: {  	s23 =	simm.s32 $0x1B8B  }
0xa2: {  	_ =	swait.ge [sflag:s23], $0x1  }
0xa3: {  	[sflag:s23] =	ssyncset.done $0x0  }
0xa4: {  	[sflag:s23] =	ssyncadd.s32 $0xFFFFFFFF  }
0xa5: {  	s4 =	sld [smem:$0x0]  }
0xa6: {  	s5 =	sand.u32 $0xFFFFFFFE, s1  }
0xa7: {  	p0 =	sne.s32 s1, s5  }
0xa8: {  	s5 =	sshll.u32 @p0 s5, $0xE  }
0xa9: {  	s5 =	sadd.s32 @p0 $0x11B8D, s5;
	s6 =	sshll.u32 @p0 s4, $0x11  }
0xaa: {  	s5 =	sor.u32 @p0 s6, s5  }
0xab: {  	[sflag:s5] =	ssyncadd.remote.s32 @p0 $0x1;
	_ =	sdelay $0x1  }
0xac: {  	s5 =	simm.s32 @p0 $0x1B8D  }
0xad: {  	_ =	swait.eq @p0 [sflag:s5], $0x1  }
0xae: {  	[sflag:s5] =	ssyncadd.s32 @p0 $0xFFFFFFFF  }
0xaf: {  	s6 =	sshll.u32 @!p0 s1, $0xE  }
0xb0: {  	s6 =	sor.u32 @!p0 $0x4000, s6;
	s5 =	simm.s32 @!p0 $0x1B8D  }
0xb1: {  	s4 =	sshll.u32 @!p0 s4, $0x11;
	s6 =	sadd.s32 @!p0 $0x11B8D, s6;
	_ =	swait.eq @!p0 [sflag:s5], $0x1  }
0xb2: {  	s4 =	sor.u32 @!p0 s4, s6;
	[sflag:s5] =	ssyncadd.s32 @!p0 $0xFFFFFFFF  }
0xb3: {  	s25 =	simm.s32 $0x1B8E;
	s24 =	sld [smem:$0x3FFE];
	[sflag:s4] =	ssyncadd.remote.s32 @!p0 $0x1  }
0xb4: {  	s26 =	simm.s32 $execute0_lowered;
	[smem:$0x3FD2] =	sst s25  }
0xb5: {  	s5 =	sshll.u32 s26, $0x1;
	_ =	strace $0x8000004F;
	[dreg:$0x1] =	wrdreg $0xFFFFFFFF  }
0xb6: {  	s28 =	simm.s32 $_size_execute0_lowered;
	s3 =	sadd.s32 s3, s5;
	[dreg:$0x0] =	wrdreg $0x0  }
0xb7: {  	s5 =	sshll.u32 s28, $0x1;
	[dreg:$0x2] =	wrdreg s3  }
0xb8: {  	[dreg:$0x3] =	wrdreg s5  }
0xb9: {  	[dreg:$0x4] =	wrdreg $0xC0  }
0xba: {  	_ =	task [dreg:s22], $0x5FFFF  }
0xbb: {  	[dreg:$0x1] =	wrdreg $0xFFFFFFFF  }
0xbc: {  	[dreg:$0x0] =	wrdreg $0x60  }
0xbd: {  	[dreg:$0x2] =	wrdreg s24  }
0xbe: {  	[dreg:$0x3] =	wrdreg $0xC  }
0xbf: {  	_ =	task.clear_ibuf [dreg:s22], $0x4FFFF;
	_ =	strace $0x9000004F  }
0xc0: {  	s29 =	simm.s32 $0xC;
	_ =	strace $0x80000051  }
0xc1: {  	_ =	swait.ge [sflag:s29], $0x1  }
0xc2: {  	[sflag:s29] =	ssyncadd.s32 $0xFFFFFFFF  }
0xc3: {  	_ =	strace $0x90000051  }
0xc4: {  	_ =	sfence  }
0xc5: {  	s30 =	sld [smem:$0x0];
	_ =	sdelay $0x2  }
0xc6: {  	s31 =	sshll.u32 s1, $0xD;
	s1 =	sshrl.u32 s1, $0x2  }
0xc7: {  	s4 =	sand.u32 $0x4000, s31;
	s1 =	sadd.s32 s1, s30  }
0xc8: {  	s0 =	sor.u32 s4, s0;
	s1 =	sshll.u32 s1, $0x11  }
0xc9: {  	s0 =	sor.u32 s1, s0  }
0xca: {  	s0 =	sadd.s32 $0x8F2B, s0  }
0xcb: {  	[sflag:s0] =	ssyncadd.remote.s32 $0x1  }
0xcc: {  	_ =	sfence.sel $0xFFFF  }
0xcd: {  	[dreg:$0x0] =	wrdreg $0xFFFFFFFF;
	(pc) =	sbr.abs _section_cstart, $3  }
0xce: {  	[dreg:$0x1] =	wrdreg $0xFFFFFFFF  }
0xcf: {  	_ =	task.clear_ibuf [dreg:s22], $0x2FFFF;
	_ =	strace $0x9FFFFFFF  }
0xd0: {  	(tm) =	ssettm $0x7FFFFFFF  }
0xd1: {  	_ =	shalt  }
tec
execute0_lowered:
.L_overlay_start_1:
0x0: {  	(tag) =	ssettag $0x1  }
0x1: {  	s4 =	rddreg [dreg:$0x0]  }
0x2: {  	s0 =	rddreg [dreg:$0x1];
	s2 =	simm.s32 $0x0;
	s1 =	stileid.u32  }
0x3: {  	s3 =	srdreg.scid;
	s10 =	simm.s32 $0x0;
	s6 =	smul.u32 $0xA000, s1  }
0x4: {  	[smem:$0x7FF] =	sst s2;
	s5 =	sand.u32 $0x1, s3;
	s8 =	smul.u32 $0x14000, s1  }
0x5: {  	s3 =	sadd.s32 $0x1A00, s4;
	s7 =	smul.u32 $0x5000, s5;
	s9 =	ssub.s32 $0x2, s5  }
0x6: {  	_ =	strace $0x80000050;
	s5 =	smul.u32 $0xA000, s5;
	s31 =	sshrl.u32 s9, $0x1  }
0x7: {  	s8 =	sadd.s32 s8, s4;
	s6 =	sadd.s32 s7, s6;
	s7 =	ssub.s32 s9, s31  }
0x8: {  	s5 =	sadd.s32 s5, s8;
	s8 =	simm.s32 $0x400;
	s6 =	sshrl.u32 s6, $0x3  }
0x9: {  	s9 =	simm.s32 $0x1;
	s5 =	sadd.s32 $0x60E000, s5;
	s6 =	sadd.s32 s6, s4  }
0xa: {  	s4 =	smax.u32 s7, $0x1;
	s7 =	simm.s32 $0x2;
	s6 =	sadd.s32 $0x366000, s6  }
.LBB2_1:
0xb: {  	s11 =	sadd.s32 $0x0, s6  }
0xc: {  	[tilespmem:s2], [sflag:$0x2] =	stream.linear.gather [hbm4b:s11+s2], $0x400, $0x38;
	[tilespmem:$0x4400] =	vst v63  }
0xd: {  	_ =	swait.ge [sflag:s7], $0x400  }
0xe: {  	[sflag:s7] =	ssyncset.done $0x0  }
0xf: {  	[sflag:s7] =	ssyncadd.s32 $0xFFFFFC00  }
0x10: {  	[tilespmem:s8], [sflag:$0x1] =	stream.indirect.gather [hbm4b:s3+s8], $0x10, s2, s8, $0xb8;
	[tilespmem:$0x4400] =	vst v63  }
0x11: {  	_ =	swait.ge [sflag:s9], $0x4000  }
0x12: {  	[sflag:s9] =	ssyncset.done $0x0  }
0x13: {  	[sflag:s9] =	ssyncadd.s32 $0xFFFFC000  }
0x14: {  	[hbm4b:s5+s2] =	stream.linear.scatter [tilespmem:s8], [sflag:$0x2], $0x4000, $0x38;
	[tilespmem:$0x4400] =	vst v63  }
0x15: {  	s12 =	simm.s32 $0x80;
	_ =	swait.ge [sflag:s7], $0x4000  }
0x16: {  	s13 =	simm.s32 $0x100;
	s11 =	sadd.s32 $0x800, s5;
	[sflag:s7] =	ssyncset.done $0x0  }
.LBB2_2:
0x17: {  	s14 =	sadd.s32 s12, s6  }
0x18: {  	[sflag:s7] =	ssyncadd.s32 $0xFFFFC000;
	s12 =	smov.u32 s13;
	s15 =	sadd.s32 $0x80, s13  }
0x19: {  	[tilespmem:s2], [sflag:$0x2] =	stream.linear.gather [hbm4b:s14+s2], $0x400, $0x38;
	[tilespmem:$0x4400] =	vst v63  }
0x1a: {  	p0 =	sne.s32 s13, $0x980;
	_ =	swait.ge [sflag:s7], $0x400  }
0x1b: {  	[sflag:s7] =	ssyncset.done $0x0  }
0x1c: {  	[sflag:s7] =	ssyncadd.s32 $0xFFFFFC00  }
0x1d: {  	[tilespmem:s8], [sflag:$0x1] =	stream.indirect.gather [hbm4b:s3+s8], $0x10, s2, s8, $0xb8;
	[tilespmem:$0x4400] =	vst v63  }
0x1e: {  	_ =	swait.ge [sflag:s9], $0x4000  }
.Ltmp0:
0x1f: {  	[sflag:s9] =	ssyncset.done $0x0;
	(pc) =	sbr.rel @p0 .LBB2_2-.Ltmp0, $4  }
0x20: {  	[sflag:s9] =	ssyncadd.s32 $0xFFFFC000  }
0x21: {  	[hbm4b:s11+s2] =	stream.linear.scatter [tilespmem:s8], [sflag:$0x2], $0x4000, $0x38;
	[tilespmem:$0x4400] =	vst v63  }
0x22: {  	_ =	swait.ge [sflag:s7], $0x4000  }
0x23: {  	s13 =	smov.u32 s15;
	s11 =	sadd.s32 $0x800, s11;
	[sflag:s7] =	ssyncset.done $0x0  }
0x24: {  	s12 =	sadd.s32 s12, s6;
	[sflag:s7] =	ssyncadd.s32 $0xFFFFC000  }
0x25: {  	[tilespmem:s2], [sflag:$0x2] =	stream.linear.gather [hbm4b:s12+s2], $0x400, $0x38;
	[tilespmem:$0x4400] =	vst v63  }
0x26: {  	_ =	swait.ge [sflag:s7], $0x400  }
0x27: {  	[sflag:s7] =	ssyncset.done $0x0  }
0x28: {  	[sflag:s7] =	ssyncadd.s32 $0xFFFFFC00  }
0x29: {  	[tilespmem:s8], [sflag:$0x1] =	stream.indirect.gather [hbm4b:s3+s8], $0x10, s2, s8, $0xb8;
	[tilespmem:$0x4400] =	vst v63  }
0x2a: {  	s10 =	sadd.s32 $0x1, s10;
	_ =	swait.ge [sflag:s9], $0x4000  }
0x2b: {  	p0 =	sne.s32 s10, s4;
	[sflag:s9] =	ssyncset.done $0x0  }
.Ltmp1:
0x2c: {  	[sflag:s9] =	ssyncadd.s32 $0xFFFFC000;
	(pc) =	sbr.rel @p0 .LBB2_1-.Ltmp1, $4  }
0x2d: {  	[hbm4b:s11+s2] =	stream.linear.scatter [tilespmem:s8], [sflag:$0x2], $0x4000, $0x38;
	[tilespmem:$0x4400] =	vst v63  }
0x2e: {  	_ =	swait.ge [sflag:s7], $0x4000  }
0x2f: {  	[sflag:s7] =	ssyncset.done $0x0  }
0x30: {  	[sflag:s7] =	ssyncadd.s32 $0xFFFFC000  }
0x31: {  	_ =	sfence.sel $0x180000  }
0x32: {  	[bflag:$0x0] =	sbarrier.arrive $0xFFFF  }
0x33: {  	p0 =	sne.s32 s1, $0x0;
	_ =	strace $0x90000050  }
0x34: {  	s0 =	sadd.s32 @!p0 $0x100000, s0;
	[bflag:$0x2] =	sbarrier.arrive $0xFFFF  }
0x35: {  	[sflag:s0] =	ssyncadd.tile.s32 @!p0 $0x1;
	_ =	shalt  }
.Lfunc_end2:
_tile_overlayer_lowered:
.L_overlay_start_2:
0x36: {  	(tag) =	ssettag $0x2  }
0x37: {  	s0 =	rddreg [dreg:$0x0];
	s2 =	stileid.u32  }
0x38: {  	s1 =	rddreg [dreg:$0x1];
	p0 =	sne.s32 s2, $0x0  }
0x39: {  	s3 =	rddreg [dreg:$0x2];
	[bflag:$0x3] =	sbarrier.arrive $0xFFFF;
	s2 =	simm.s32 @!p0 $0x1C02  }
0x3a: {  	[timem:s3], [sflag:s2] =	dma.local @!p0 [hbm:s0], s1  }
0x3b: {  	s0 =	simm.s32 @!p0 $0x2  }
0x3c: {  	_ =	swait.ge @!p0 [sflag:s0], s1  }
0x3d: {  	s1 =	ssub.s32 @!p0 $0x0, s1;
	[sflag:s0] =	ssyncset.done @!p0 $0x0  }
0x3e: {  	[sflag:s0] =	ssyncadd.s32 @!p0 s1  }
0x3f: {  	[bflag:$0x3] =	sbarrier.arrive $0xFFFF  }
0x40: {  	_ =	shalt  }

// kernel: kernel.24.cloned.1.call-start
scs
__scs_entry_jumppad:
0x0: {  	(pc) =	sbr.rel $0x88, $3  }
0x1: {  	(tag) =	ssettag $0x0;
	lr =	simm.s32 $0x1  }
0x2: {  	[smem:$0x3F9E] =	sst lr;
	_ =	strace $0xD0000000  }
0x3: {  	_ = 	snop  }
0x4: {  	_ = 	snop  }
0x5: {  	_ = 	snop  }
0x6: {  	_ = 	snop  }
0x7: {  	_ = 	snop  }
__scs_overlays_trampoline_lowered:
0x8: {  	[smem:$0x3FAD] =	sst s0  }
0x9: {  	[smem:$0x3FAE] =	sst s1  }
0xa: {  	[smem:$0x3FAF] =	sst s2  }
0xb: {  	[smem:$0x3FB0] =	sst s3  }
0xc: {  	[smem:$0x3FB1] =	sst s4  }
0xd: {  	[smem:$0x3FB2] =	sst s5  }
0xe: {  	[smem:$0x3FB3] =	sst s6  }
0xf: {  	[smem:$0x3FB4] =	sst s7  }
0x10: {  	[smem:$0x3FB5] =	sst s8  }
0x11: {  	[smem:$0x3FB6] =	sst s9;
	s0 =	simm.s32 @!p0 $0x0  }
0x12: {  	s1 =	sld [smem:$0x3F9C];
	s0 =	simm.s32 @p0 $0x1  }
0x13: {  	[smem:$0x3FB7] =	sst s0;
	s0 =	simm.s32 @!p1 $0x0  }
0x14: {  	s2 =	sld [smem:$0x3F9B];
	s0 =	simm.s32 @p1 $0x1  }
0x15: {  	[smem:$0x3FB8] =	sst s0;
	s0 =	simm.s32 @!p2 $0x0  }
0x16: {  	s3 =	sld [smem:$0x3FDB];
	s0 =	simm.s32 @p2 $0x1  }
0x17: {  	s4 =	simm.s32 $0x1BF5;
	[smem:$0x3FBA] =	sst s0  }
0x18: {  	s0 =	sld [smem:$0x3F9D];
	_ =	swait.ge [sflag:s4], $0x0  }
0x19: {  	s7 =	sld [smem:$0x3F9E]  }
0x1a: {  	s8 =	sadd.s32 $0xFFFFE003, lr  }
0x1b: {  	s9 =	sadd.s32 $0xFFFFFEF7, lr;
	s5 =	simm.s32 $0xFFFFFFFF;
	p2 =	slt.u32 s8, $0xFFFFF086  }
0x1c: {  	p1 =	slt.u32 s9, $0xF7A;
	s5 =	simm.s32 @!p2 $0x0  }
0x1d: {  	s5 =	simm.s32 @p1 $0x1;
	p0 =	seq.s32 s7, s2  }
0x1e: {  	s7 =	smul.u32 @!p0 $0xF7A, s2;
	p2 =	seq.s32 @!p0 s5, $0x0  }
0x1f: {  	s9 =	smul.u32 $0xF7A, s1;
	s8 =	simm.s32 @!p0 $0x1BF5;
	p2 =	por !p2, p0  }
0x20: {  	[sflag:s8] =	ssyncset.s32 @!p0 $0xFFFFF086;
	s6 =	sadd.s32 @!p0 s3, s7;
	s7 =	simm.s32 @!p0 $0x108  }
0x21: {  	s3 =	sadd.s32 s3, s9;
	s6 =	sadd.s32 @!p0 $0x88, s6;
	s7 =	simm.s32 @p2 $0x1082  }
0x22: {  	[simem:s7], [sflag:s8] =	dma.local @!p0 [hbm:s6], $0xF7A  }
0x23: {  	s9 =	sor.u32 $0xD0000000, s2;
	s6 =	simm.s32 $0x108;
	_ =	swait.ge @!p0 [sflag:s8], $0x0  }
0x24: {  	s3 =	sadd.s32 $0x88, s3;
	s6 =	simm.s32 @!p1 $0x1082;
	[sflag:s4] =	ssyncset.s32 $0xFFFFF086  }
0x25: {  	[simem:s6], [sflag:s4] =	dma.local [hbm:s3], $0xF7A  }
0x26: {  	[smem:$0x3F9E] =	sst s1;
	(tag) =	ssettag s2;
	_ =	strace s9  }
0x27: {  	s1 =	sld [smem:$0x3FAE]  }
0x28: {  	s2 =	sld [smem:$0x3FAF]  }
0x29: {  	s4 =	sld [smem:$0x3FB1]  }
0x2a: {  	p0 =	seq.s32 s5, $0x0;
	s5 =	sld [smem:$0x3FB2]  }
0x2b: {  	s6 =	sld [smem:$0x3FB3]  }
0x2c: {  	s7 =	sld [smem:$0x3FB4]  }
0x2d: {  	s3 =	simm.s32 $0x108;
	s8 =	sld [smem:$0x3FB5]  }
0x2e: {  	s3 =	simm.s32 @!p0 $0x1082;
	s9 =	sld [smem:$0x3FB6]  }
0x2f: {  	lr =	sadd.s32 s0, s3;
	s0 =	sld [smem:$0x3FAD]  }
0x30: {  	s3 =	sld [smem:$0x3FB0]  }
0x31: {  	[smem:$0x3FB9] =	sst s10  }
0x32: {  	s10 =	sld [smem:$0x3FB7];
	_ =	sdelay $0x3  }
0x33: {  	p0 =	seq.s32 s10, $0x1;
	s10 =	sld [smem:$0x3FB9];
	_ =	sdelay $0x3  }
0x34: {  	[smem:$0x3FB9] =	sst s10  }
0x35: {  	s10 =	sld [smem:$0x3FB8];
	_ =	sdelay $0x3  }
0x36: {  	p1 =	seq.s32 s10, $0x1;
	s10 =	sld [smem:$0x3FB9];
	_ =	sdelay $0x3  }
0x37: {  	[smem:$0x3FB9] =	sst s10  }
0x38: {  	s10 =	sld [smem:$0x3FBA]  }
0x39: {  	_ = 	snop;
	(pc) =	sbr.ind lr, $3  }
0x3a: {  	_ = 	snop  }
0x3b: {  	_ = 	snop  }
0x3c: {  	p2 =	seq.s32 s10, $0x1;
	s10 =	sld [smem:$0x3FB9]  }
0x3d: {  	_ =	shalt  }
0x3e: {  	_ =	shalt  }
0x3f: {  	_ =	shalt  }
0x40: {  	_ =	shalt  }
0x41: {  	_ =	shalt  }
0x42: {  	_ =	shalt  }
0x43: {  	_ =	shalt  }
0x44: {  	_ =	shalt  }
0x45: {  	_ =	shalt  }
0x46: {  	_ =	shalt  }
0x47: {  	_ =	shalt  }
0x48: {  	_ =	shalt  }
0x49: {  	_ =	shalt  }
0x4a: {  	_ =	shalt  }
0x4b: {  	_ =	shalt  }
0x4c: {  	_ =	shalt  }
0x4d: {  	_ =	shalt  }
0x4e: {  	_ =	shalt  }
0x4f: {  	_ =	shalt  }
0x50: {  	_ =	shalt  }
0x51: {  	_ =	shalt  }
0x52: {  	_ =	shalt  }
0x53: {  	_ =	shalt  }
0x54: {  	_ =	shalt  }
0x55: {  	_ =	shalt  }
0x56: {  	_ =	shalt  }
0x57: {  	_ =	shalt  }
0x58: {  	_ =	shalt  }
0x59: {  	_ =	shalt  }
0x5a: {  	_ =	shalt  }
0x5b: {  	_ =	shalt  }
0x5c: {  	_ =	shalt  }
0x5d: {  	_ =	shalt  }
0x5e: {  	_ =	shalt  }
0x5f: {  	_ =	shalt  }
0x60: {  	_ =	shalt  }
0x61: {  	_ =	shalt  }
0x62: {  	_ =	shalt  }
0x63: {  	_ =	shalt  }
0x64: {  	_ =	shalt  }
0x65: {  	_ =	shalt  }
0x66: {  	_ =	shalt  }
0x67: {  	_ =	shalt  }
0x68: {  	_ =	shalt  }
0x69: {  	_ =	shalt  }
0x6a: {  	_ =	shalt  }
0x6b: {  	_ =	shalt  }
0x6c: {  	_ =	shalt  }
0x6d: {  	_ =	shalt  }
0x6e: {  	_ =	shalt  }
0x6f: {  	_ =	shalt  }
0x70: {  	_ =	shalt  }
0x71: {  	_ =	shalt  }
0x72: {  	_ =	shalt  }
0x73: {  	_ =	shalt  }
0x74: {  	_ =	shalt  }
0x75: {  	_ =	shalt  }
0x76: {  	_ =	shalt  }
0x77: {  	_ =	shalt  }
0x78: {  	_ =	shalt  }
0x79: {  	_ =	shalt  }
0x7a: {  	_ =	shalt  }
0x7b: {  	_ =	shalt  }
0x7c: {  	_ =	shalt  }
0x7d: {  	_ =	shalt  }
0x7e: {  	_ =	shalt  }
0x7f: {  	_ =	shalt  }
0x80: {  	_ =	shalt  }
0x81: {  	_ =	shalt  }
0x82: {  	_ =	shalt  }
0x83: {  	_ =	shalt  }
0x84: {  	_ =	shalt  }
0x85: {  	_ =	shalt  }
0x86: {  	_ =	shalt  }
0x87: {  	_ =	shalt  }
.Lfunc_end0:
.L_simem_size_0:
called_computation.4_lowered:
.L_overlay_start_0:
0x88: {  	s2 =	sld [smem:$0x3FD9]  }
0x89: {  	s3 =	sld [smem:$0x3FFE];
	_ =	sdelay $0x1  }
0x8a: {  	s1 =	srdreg.scid  }
0x8b: {  	s0 =	sand.u32 $0x1, s1  }
0x8c: {  	s17 =	sshll.u32 s0, $0xA;
	s2 =	sadd.s32 s3, s2  }
0x8d: {  	s2 =	sadd.s32 s2, s17  }
0x8e: {  	[smem:$0x3FC5] =	sst s2  }
0x8f: {  	_ = 	snop  }
0x90: {  	(tm) =	ssettm $0x1  }
0x91: {  	s18 =	sld [smem:$0x3FFB];
	_ =	sdelay $0x3  }
0x92: {  	_ =	strace s18  }
0x93: {  	s2 =	sld [smem:$0x3FFC];
	_ =	sdelay $0x3  }
0x94: {  	_ =	strace s2  }
0x95: {  	s2 =	sld [smem:$0x3FFD];
	_ =	sdelay $0x3  }
0x96: {  	_ =	strace s2  }
0x97: {  	_ =	strace $0x8FFFFFFF  }
0x98: {  	s19 =	sld [smem:$0x3FDB];
	_ =	sdelay $0x1  }
0x99: {  	s20 =	simm.s32 $_scs_section_size  }
0x9a: {  	s4 =	simm.s32 $_size__tile_overlayer_lowered;
	s5 =	simm.s32 $_tile_overlayer_lowered  }
0x9b: {  	s6 =	simm.s32 $0x1BFF;
	s21 =	sshll.u32 s5, $0x1;
	s3 =	sadd.s32 s20, s19  }
0x9c: {  	s22 =	simm.s32 $0x0;
	s4 =	sshll.u32 s4, $0x1;
	s5 =	sadd.s32 s21, s3  }
0x9d: {  	[timem:s22], [sflag:s6] =	dma.local [hbm:s5], s4  }
0x9e: {  	_ =	swait.ge [sflag:s6], s4  }
0x9f: {  	s4 =	ssub.s32 $0x0, s4;
	[sflag:s6] =	ssyncset.done $0x0  }
0xa0: {  	[sflag:s6] =	ssyncadd.s32 s4;
	_ =	sdelay $0x1  }
0xa1: {  	s23 =	simm.s32 $0x1B8B  }
0xa2: {  	_ =	swait.ge [sflag:s23], $0x1  }
0xa3: {  	[sflag:s23] =	ssyncset.done $0x0  }
0xa4: {  	[sflag:s23] =	ssyncadd.s32 $0xFFFFFFFF  }
0xa5: {  	s4 =	sld [smem:$0x0]  }
0xa6: {  	s5 =	sand.u32 $0xFFFFFFFE, s1  }
0xa7: {  	p0 =	sne.s32 s1, s5  }
0xa8: {  	s5 =	sshll.u32 @p0 s5, $0xE  }
0xa9: {  	s5 =	sadd.s32 @p0 $0x11B8D, s5;
	s6 =	sshll.u32 @p0 s4, $0x11  }
0xaa: {  	s5 =	sor.u32 @p0 s6, s5  }
0xab: {  	[sflag:s5] =	ssyncadd.remote.s32 @p0 $0x1;
	_ =	sdelay $0x1  }
0xac: {  	s5 =	simm.s32 @p0 $0x1B8D  }
0xad: {  	_ =	swait.eq @p0 [sflag:s5], $0x1  }
0xae: {  	[sflag:s5] =	ssyncadd.s32 @p0 $0xFFFFFFFF  }
0xaf: {  	s6 =	sshll.u32 @!p0 s1, $0xE  }
0xb0: {  	s6 =	sor.u32 @!p0 $0x4000, s6;
	s5 =	simm.s32 @!p0 $0x1B8D  }
0xb1: {  	s4 =	sshll.u32 @!p0 s4, $0x11;
	s6 =	sadd.s32 @!p0 $0x11B8D, s6;
	_ =	swait.eq @!p0 [sflag:s5], $0x1  }
0xb2: {  	s4 =	sor.u32 @!p0 s4, s6;
	[sflag:s5] =	ssyncadd.s32 @!p0 $0xFFFFFFFF  }
0xb3: {  	s25 =	simm.s32 $0x1B8E;
	s24 =	sld [smem:$0x3FFE];
	[sflag:s4] =	ssyncadd.remote.s32 @!p0 $0x1  }
0xb4: {  	s26 =	simm.s32 $execute0_lowered;
	[smem:$0x3FD2] =	sst s25  }
0xb5: {  	s5 =	sshll.u32 s26, $0x1;
	_ =	strace $0x80000052;
	[dreg:$0x1] =	wrdreg $0xFFFFFFFF  }
0xb6: {  	s28 =	simm.s32 $_size_execute0_lowered;
	s3 =	sadd.s32 s3, s5;
	[dreg:$0x0] =	wrdreg $0x0  }
0xb7: {  	s5 =	sshll.u32 s28, $0x1;
	[dreg:$0x2] =	wrdreg s3  }
0xb8: {  	[dreg:$0x3] =	wrdreg s5  }
0xb9: {  	[dreg:$0x4] =	wrdreg $0xC0  }
0xba: {  	_ =	task [dreg:s22], $0x5FFFF  }
0xbb: {  	[dreg:$0x1] =	wrdreg $0xFFFFFFFF  }
0xbc: {  	[dreg:$0x0] =	wrdreg $0x60  }
0xbd: {  	[dreg:$0x2] =	wrdreg s24  }
0xbe: {  	[dreg:$0x3] =	wrdreg $0xD  }
0xbf: {  	_ =	task.clear_ibuf [dreg:s22], $0x4FFFF;
	_ =	strace $0x90000052  }
0xc0: {  	s29 =	simm.s32 $0xD;
	_ =	strace $0x80000054  }
0xc1: {  	_ =	swait.ge [sflag:s29], $0x1  }
0xc2: {  	[sflag:s29] =	ssyncadd.s32 $0xFFFFFFFF  }
0xc3: {  	_ =	strace $0x90000054  }
0xc4: {  	_ =	sfence  }
0xc5: {  	s30 =	sld [smem:$0x0];
	_ =	sdelay $0x2  }
0xc6: {  	s31 =	sshll.u32 s1, $0xD;
	s1 =	sshrl.u32 s1, $0x2  }
0xc7: {  	s4 =	sand.u32 $0x4000, s31;
	s1 =	sadd.s32 s1, s30  }
0xc8: {  	s0 =	sor.u32 s4, s0;
	s1 =	sshll.u32 s1, $0x11  }
0xc9: {  	s0 =	sor.u32 s1, s0  }
0xca: {  	s0 =	sadd.s32 $0x8F2B, s0  }
0xcb: {  	[sflag:s0] =	ssyncadd.remote.s32 $0x1  }
0xcc: {  	_ =	sfence.sel $0xFFFF  }
0xcd: {  	[dreg:$0x0] =	wrdreg $0xFFFFFFFF;
	(pc) =	sbr.abs _section_cstart, $3  }
0xce: {  	[dreg:$0x1] =	wrdreg $0xFFFFFFFF  }
0xcf: {  	_ =	task.clear_ibuf [dreg:s22], $0x2FFFF;
	_ =	strace $0x9FFFFFFF  }
0xd0: {  	(tm) =	ssettm $0x7FFFFFFF  }
0xd1: {  	_ =	shalt  }
tec
execute0_lowered:
.L_overlay_start_1:
0x0: {  	(tag) =	ssettag $0x1  }
0x1: {  	s4 =	rddreg [dreg:$0x0]  }
0x2: {  	s0 =	rddreg [dreg:$0x1];
	s2 =	simm.s32 $0x0;
	s1 =	stileid.u32  }
0x3: {  	s3 =	srdreg.scid;
	s10 =	simm.s32 $0x0;
	s6 =	smul.u32 $0xA000, s1  }
0x4: {  	[smem:$0x7FF] =	sst s2;
	s5 =	sand.u32 $0x1, s3;
	s8 =	smul.u32 $0x14000, s1  }
0x5: {  	s3 =	sadd.s32 $0x1A00, s4;
	s7 =	smul.u32 $0x5000, s5;
	s9 =	ssub.s32 $0x2, s5  }
0x6: {  	_ =	strace $0x80000053;
	s5 =	smul.u32 $0xA000, s5;
	s31 =	sshrl.u32 s9, $0x1  }
0x7: {  	s8 =	sadd.s32 s8, s4;
	s6 =	sadd.s32 s7, s6;
	s7 =	ssub.s32 s9, s31  }
0x8: {  	s5 =	sadd.s32 s5, s8;
	s8 =	simm.s32 $0x400;
	s6 =	sshrl.u32 s6, $0x3  }
0x9: {  	s9 =	simm.s32 $0x1;
	s5 =	sadd.s32 $0x74E000, s5;
	s6 =	sadd.s32 s6, s4  }
0xa: {  	s4 =	smax.u32 s7, $0x1;
	s7 =	simm.s32 $0x2;
	s6 =	sadd.s32 $0x37A000, s6  }
.LBB2_1:
0xb: {  	s11 =	sadd.s32 $0x0, s6  }
0xc: {  	[tilespmem:s2], [sflag:$0x2] =	stream.linear.gather [hbm4b:s11+s2], $0x400, $0x38;
	[tilespmem:$0x4400] =	vst v63  }
0xd: {  	_ =	swait.ge [sflag:s7], $0x400  }
0xe: {  	[sflag:s7] =	ssyncset.done $0x0  }
0xf: {  	[sflag:s7] =	ssyncadd.s32 $0xFFFFFC00  }
0x10: {  	[tilespmem:s8], [sflag:$0x1] =	stream.indirect.gather [hbm4b:s3+s8], $0x10, s2, s8, $0xb8;
	[tilespmem:$0x4400] =	vst v63  }
0x11: {  	_ =	swait.ge [sflag:s9], $0x4000  }
0x12: {  	[sflag:s9] =	ssyncset.done $0x0  }
0x13: {  	[sflag:s9] =	ssyncadd.s32 $0xFFFFC000  }
0x14: {  	[hbm4b:s5+s2] =	stream.linear.scatter [tilespmem:s8], [sflag:$0x2], $0x4000, $0x38;
	[tilespmem:$0x4400] =	vst v63  }
0x15: {  	s12 =	simm.s32 $0x80;
	_ =	swait.ge [sflag:s7], $0x4000  }
0x16: {  	s13 =	simm.s32 $0x100;
	s11 =	sadd.s32 $0x800, s5;
	[sflag:s7] =	ssyncset.done $0x0  }
.LBB2_2:
0x17: {  	s14 =	sadd.s32 s12, s6  }
0x18: {  	[sflag:s7] =	ssyncadd.s32 $0xFFFFC000;
	s12 =	smov.u32 s13;
	s15 =	sadd.s32 $0x80, s13  }
0x19: {  	[tilespmem:s2], [sflag:$0x2] =	stream.linear.gather [hbm4b:s14+s2], $0x400, $0x38;
	[tilespmem:$0x4400] =	vst v63  }
0x1a: {  	p0 =	sne.s32 s13, $0x980;
	_ =	swait.ge [sflag:s7], $0x400  }
0x1b: {  	[sflag:s7] =	ssyncset.done $0x0  }
0x1c: {  	[sflag:s7] =	ssyncadd.s32 $0xFFFFFC00  }
0x1d: {  	[tilespmem:s8], [sflag:$0x1] =	stream.indirect.gather [hbm4b:s3+s8], $0x10, s2, s8, $0xb8;
	[tilespmem:$0x4400] =	vst v63  }
0x1e: {  	_ =	swait.ge [sflag:s9], $0x4000  }
.Ltmp0:
0x1f: {  	[sflag:s9] =	ssyncset.done $0x0;
	(pc) =	sbr.rel @p0 .LBB2_2-.Ltmp0, $4  }
0x20: {  	[sflag:s9] =	ssyncadd.s32 $0xFFFFC000  }
0x21: {  	[hbm4b:s11+s2] =	stream.linear.scatter [tilespmem:s8], [sflag:$0x2], $0x4000, $0x38;
	[tilespmem:$0x4400] =	vst v63  }
0x22: {  	_ =	swait.ge [sflag:s7], $0x4000  }
0x23: {  	s13 =	smov.u32 s15;
	s11 =	sadd.s32 $0x800, s11;
	[sflag:s7] =	ssyncset.done $0x0  }
0x24: {  	s12 =	sadd.s32 s12, s6;
	[sflag:s7] =	ssyncadd.s32 $0xFFFFC000  }
0x25: {  	[tilespmem:s2], [sflag:$0x2] =	stream.linear.gather [hbm4b:s12+s2], $0x400, $0x38;
	[tilespmem:$0x4400] =	vst v63  }
0x26: {  	_ =	swait.ge [sflag:s7], $0x400  }
0x27: {  	[sflag:s7] =	ssyncset.done $0x0  }
0x28: {  	[sflag:s7] =	ssyncadd.s32 $0xFFFFFC00  }
0x29: {  	[tilespmem:s8], [sflag:$0x1] =	stream.indirect.gather [hbm4b:s3+s8], $0x10, s2, s8, $0xb8;
	[tilespmem:$0x4400] =	vst v63  }
0x2a: {  	s10 =	sadd.s32 $0x1, s10;
	_ =	swait.ge [sflag:s9], $0x4000  }
0x2b: {  	p0 =	sne.s32 s10, s4;
	[sflag:s9] =	ssyncset.done $0x0  }
.Ltmp1:
0x2c: {  	[sflag:s9] =	ssyncadd.s32 $0xFFFFC000;
	(pc) =	sbr.rel @p0 .LBB2_1-.Ltmp1, $4  }
0x2d: {  	[hbm4b:s11+s2] =	stream.linear.scatter [tilespmem:s8], [sflag:$0x2], $0x4000, $0x38;
	[tilespmem:$0x4400] =	vst v63  }
0x2e: {  	_ =	swait.ge [sflag:s7], $0x4000  }
0x2f: {  	[sflag:s7] =	ssyncset.done $0x0  }
0x30: {  	[sflag:s7] =	ssyncadd.s32 $0xFFFFC000  }
0x31: {  	_ =	sfence.sel $0x180000  }
0x32: {  	[bflag:$0x0] =	sbarrier.arrive $0xFFFF  }
0x33: {  	p0 =	sne.s32 s1, $0x0;
	_ =	strace $0x90000053  }
0x34: {  	s0 =	sadd.s32 @!p0 $0x100000, s0;
	[bflag:$0x2] =	sbarrier.arrive $0xFFFF  }
0x35: {  	[sflag:s0] =	ssyncadd.tile.s32 @!p0 $0x1;
	_ =	shalt  }
.Lfunc_end2:
_tile_overlayer_lowered:
.L_overlay_start_2:
0x36: {  	(tag) =	ssettag $0x2  }
0x37: {  	s0 =	rddreg [dreg:$0x0];
	s2 =	stileid.u32  }
0x38: {  	s1 =	rddreg [dreg:$0x1];
	p0 =	sne.s32 s2, $0x0  }
0x39: {  	s3 =	rddreg [dreg:$0x2];
	[bflag:$0x3] =	sbarrier.arrive $0xFFFF;
	s2 =	simm.s32 @!p0 $0x1C02  }
0x3a: {  	[timem:s3], [sflag:s2] =	dma.local @!p0 [hbm:s0], s1  }
0x3b: {  	s0 =	simm.s32 @!p0 $0x2  }
0x3c: {  	_ =	swait.ge @!p0 [sflag:s0], s1  }
0x3d: {  	s1 =	ssub.s32 @!p0 $0x0, s1;
	[sflag:s0] =	ssyncset.done @!p0 $0x0  }
0x3e: {  	[sflag:s0] =	ssyncadd.s32 @!p0 s1  }
0x3f: {  	[bflag:$0x3] =	sbarrier.arrive $0xFFFF  }
0x40: {  	_ =	shalt  }

</sc_bundles>
